<compile_context>
chip_gen: v7x
topology: tpu7x:2x2x1
jax: 0.10.2.dev20260603
libtpu: 0.0.44.dev20260713+nightly
codegen_flags: <defaults>
</compile_context>

<pallas_src>
import functools

import jax
import jax.numpy as jnp
from jax import lax
from jax.experimental import pallas as pl
from jax.experimental.pallas import tpu as pltpu
from jax.experimental.pallas import tpu_sc as plsc

_STD = 3.0
_MAX_SHIFT = 6
_HALO = 8
_NC = 2
_NS = 16
_TB = 64
_NIN = 4
_NOUT = 2
_B_SC = 16


def _make_shifts(B, C):
    skey = jax.random.key(42)
    shifts = jax.random.normal(skey, (B, 1, C), dtype=jnp.float32) * _STD
    shifts = jnp.clip(jnp.round(shifts).astype(jnp.int32), -_MAX_SHIFT, _MAX_SHIFT)
    return shifts.reshape(B, C)


def _tc_body(s_ref, x_ref, o_ref):
    x = x_ref[0]
    a = s_ref[0] + _MAX_SHIFT
    y = jnp.roll(x, -_MAX_SHIFT, axis=0)
    for k in (1, 2, 4, 8):
        m = (a & k) != 0
        y = jnp.where(m, jnp.roll(y, k, axis=0), y)
    o_ref[0] = y


def _sc_body(B0, T, C, data_hbm, sh_hbm, out_hbm,
             in0, in1, in2, in3, out0, out1, sh_v,
             si0, si1, si2, si3, so0, so1):
    H = _HALO
    NBLK = T // _TB
    NBT = NBLK // 2
    wid = lax.axis_index("s") * _NC + lax.axis_index("c")
    b_loc = wid // 2
    j0 = (wid % 2) * NBT

    ins = [in0, in1, in2, in3]
    sin = [si0, si1, si2, si3]
    outs = [out0, out1]
    son = [so0, so1]

    pltpu.sync_copy(sh_hbm, sh_v)

    def issue_in(i, buf, sem):
        b = B0 + b_loc
        blk = j0 + i
        t0 = pl.multiple_of(blk * _TB, _TB)

        @pl.when(blk == 0)
        def _():
            pltpu.async_copy(data_hbm.at[b, pl.ds(T - H, H), :],
                             buf.at[pl.ds(0, H)], sem)
            pltpu.async_copy(data_hbm.at[b, pl.ds(0, _TB + H), :],
                             buf.at[pl.ds(H, _TB + H)], sem)

        @pl.when(blk == NBLK - 1)
        def _():
            pltpu.async_copy(
                data_hbm.at[b, pl.ds(pl.multiple_of(t0 - H, H), _TB + H), :],
                buf.at[pl.ds(0, _TB + H)], sem)
            pltpu.async_copy(data_hbm.at[b, pl.ds(0, H), :],
                             buf.at[pl.ds(_TB + H, H)], sem)

        @pl.when(jnp.logical_and(blk > 0, blk < NBLK - 1))
        def _():
            pltpu.async_copy(
                data_hbm.at[b, pl.ds(pl.multiple_of(t0 - H, H), _TB + 2 * H), :],
                buf, sem)

    def wait_in(buf, sem):
        pltpu.make_async_copy(data_hbm.at[0, pl.ds(0, _TB + 2 * H), :],
                              buf, sem).wait()

    def wait_out(buf, sem):
        pltpu.make_async_copy(buf, out_hbm.at[0, pl.ds(0, _TB), :],
                              sem).wait()

    def compute(ibuf, obuf):
        def ch_body(ch, carry):
            c0 = ch * 16
            s16 = sh_v[b_loc, pl.ds(c0, 16)]
            hal16 = H - s16
            col16 = lax.iota(jnp.int32, 16) + c0

            @plsc.parallel_loop(0, _TB, unroll=8)
            def lt_body(lt, hal16=hal16, col16=col16, c0=c0):
                row16 = hal16 + lt
                g = plsc.load_gather(ibuf, [row16, col16])
                obuf[lt, pl.ds(c0, 16)] = g
            return carry

        lax.fori_loop(0, C // 16, ch_body, 0)

    def issue_out(i, buf, sem):
        t0 = pl.multiple_of((j0 + i) * _TB, _TB)
        pltpu.async_copy(buf, out_hbm.at[b_loc, pl.ds(t0, _TB), :], sem)

    for k in range(_NIN):
        issue_in(k, ins[k], sin[k])

    def do_group(g, carry):
        for k in range(_NIN):
            i = _NIN * g + k
            ob = k % _NOUT
            wait_in(ins[k], sin[k])

            @pl.when(i >= _NOUT)
            def _(ob=ob):
                wait_out(outs[ob], son[ob])

            compute(ins[k], outs[ob])
            issue_out(i, outs[ob], son[ob])

            @pl.when(i + _NIN < NBT)
            def _(i=i, k=k):
                issue_in(i + _NIN, ins[k], sin[k])
        return carry

    lax.fori_loop(0, NBT // _NIN, do_group, 0)

    wait_out(outs[0], son[0])
    wait_out(outs[1], son[1])


def kernel(data):
    B, T, C = data.shape
    shifts = _make_shifts(B, C)
    b_tc = B - _B_SC

    mesh = plsc.VectorSubcoreMesh(core_axis_name="c", subcore_axis_name="s")
    sc = functools.partial(
        pl.kernel,
        mesh=mesh,
        compiler_params=pltpu.CompilerParams(
            use_tc_tiling_on_sc=False, needs_layout_passes=False),
        out_type=jax.ShapeDtypeStruct((_B_SC, T, C), jnp.float32),
        scratch_types=(
            [pltpu.VMEM((_TB + 2 * _HALO, C), jnp.float32)] * _NIN
            + [pltpu.VMEM((_TB, C), jnp.float32)] * _NOUT
            + [pltpu.VMEM((_B_SC, C), jnp.int32)]
            + [pltpu.SemaphoreType.DMA] * (_NIN + _NOUT)
        ),
    )(functools.partial(_sc_body, b_tc, T, C))
    sc_out = sc(data, shifts[b_tc:])

    tc_out = pl.pallas_call(
        _tc_body,
        grid=(b_tc,),
        in_specs=[
            pl.BlockSpec((1, 1, C), lambda b: (b, 0, 0)),
            pl.BlockSpec((1, T, C), lambda b: (b, 0, 0)),
        ],
        out_specs=pl.BlockSpec((1, T, C), lambda b: (b, 0, 0)),
        out_shape=jax.ShapeDtypeStruct((B, T, C), data.dtype),
    )(shifts.reshape(B, 1, C), data)

    return lax.dynamic_update_slice(tc_out, sc_out, (b_tc, 0, 0))

# --- scband reference (transcript-rebuilt; emitter-appended) ---
"""Pipeline reference for scband-temporal-shift-7816840479178 (READ-ONLY COPY).

The authoritative reference and input builder live on the scoring server;
editing this copy changes nothing except your own understanding.
"""

import jax, jax.numpy as jnp
import numpy as np

STD = 3.0
MAX_SHIFT = 6

def setup_inputs(seed: int = 0) -> dict:
    key = jax.random.key(seed)
    data = jax.random.normal(key, (64, 2048, 256), dtype=jnp.float32)
    return {"data": data}

def reference(data):
    batch_size, n_steps, n_channels = data.shape
    # per-(batch, channel) random temporal shift, mirroring torch.normal(mean=0, std=STD)
    skey = jax.random.key(42)
    shifts = jax.random.normal(skey, (batch_size, 1, n_channels), dtype=jnp.float32) * STD
    shifts = jnp.clip(jnp.round(shifts).astype(jnp.int32), -MAX_SHIFT, MAX_SHIFT)
    indices = jnp.arange(n_steps, dtype=jnp.int32)[None, :, None]
    indices = jnp.broadcast_to(indices, (batch_size, n_steps, n_channels))
    shifted_indices = jnp.mod(indices - shifts, n_steps)
    shifted_data = jnp.take_along_axis(data, shifted_indices, axis=1)
    return shifted_data

if __name__ == "__main__":
    import jax
    _d = setup_inputs()
    print(jax.jit(kernel)(*tuple(_d.values())))

</pallas_src>

<mosaic_0001>
#map = affine_map<(d0, d1) -> (0, 0, 0)>
#map1 = affine_map<(d0, d1) -> (0, 0)>
module attributes {stable_mosaic.version = 14 : i64} {
  func.func @_sc_body(%arg0: i32, %arg1: i32, %arg2: memref<64x2048x256xf32, #tpu.memory_space<hbm>>, %arg3: memref<16x256xi32, #tpu.memory_space<hbm>>, %arg4: memref<16x2048x256xf32, #tpu.memory_space<hbm>>, %arg5: memref<80x256xf32, #tpu.memory_space<vmem>>, %arg6: memref<80x256xf32, #tpu.memory_space<vmem>>, %arg7: memref<80x256xf32, #tpu.memory_space<vmem>>, %arg8: memref<80x256xf32, #tpu.memory_space<vmem>>, %arg9: memref<64x256xf32, #tpu.memory_space<vmem>>, %arg10: memref<64x256xf32, #tpu.memory_space<vmem>>, %arg11: memref<16x256xi32, #tpu.memory_space<vmem>>, %arg12: memref<!tpu.dma_semaphore, #tpu.memory_space<semaphore_mem>>, %arg13: memref<!tpu.dma_semaphore, #tpu.memory_space<semaphore_mem>>, %arg14: memref<!tpu.dma_semaphore, #tpu.memory_space<semaphore_mem>>, %arg15: memref<!tpu.dma_semaphore, #tpu.memory_space<semaphore_mem>>, %arg16: memref<!tpu.dma_semaphore, #tpu.memory_space<semaphore_mem>>, %arg17: memref<!tpu.dma_semaphore, #tpu.memory_space<semaphore_mem>>) attributes {dimension_semantics = [#tpu.dimension_semantics<core_parallel>, #tpu.dimension_semantics<subcore_parallel>], iteration_bounds = array<i64: 2, 16>, scalar_prefetch = 0 : i64, scratch_operands = 13 : i64, tpu.core_type = #tpu.core_type<sc_vector_subcore>, window_params = [{transform_indices = #map}, {transform_indices = #map1}, {transform_indices = #map}]} {
    %mul3A = arith.constant 2 : i32
    %mul3A_0 = arith.muli %arg1, %mul3A : i32
    %add3A = arith.addi %mul3A_0, %arg0 : i32
    %jit3A = arith.constant 2 : i32
    %div3A = arith.divsi %add3A, %jit3A : i32
    %sign3A = arith.constant 0 : i32
    %sign3A_1 = arith.cmpi sgt, %add3A, %sign3A : i32
    %sign3A_2 = arith.extui %sign3A_1 : i1 to i32
    %sign3A_3 = arith.constant 0 : i32
    %sign3A_4 = arith.cmpi slt, %add3A, %sign3A_3 : i32
    %sign3A_5 = arith.extui %sign3A_4 : i1 to i32
    %sign3A_6 = arith.subi %sign3A_2, %sign3A_5 : i32
    %sign3A_7 = arith.constant 0 : i32
    %sign3A_8 = arith.cmpi sgt, %jit3A, %sign3A_7 : i32
    %sign3A_9 = arith.extui %sign3A_8 : i1 to i32
    %sign3A_10 = arith.constant 0 : i32
    %sign3A_11 = arith.cmpi slt, %jit3A, %sign3A_10 : i32
    %sign3A_12 = arith.extui %sign3A_11 : i1 to i32
    %sign3A_13 = arith.subi %sign3A_9, %sign3A_12 : i32
    %ne3A = arith.cmpi ne, %sign3A_6, %sign3A_13 : i32
    %rem3A = arith.remsi %add3A, %jit3A : i32
    %ne3A_14 = arith.constant 0 : i32
    %ne3A_15 = arith.cmpi ne, %rem3A, %ne3A_14 : i32
    %and3A = arith.andi %ne3A, %ne3A_15 : i1
    %sub3A = arith.constant 1 : i32
    %sub3A_16 = arith.subi %div3A, %sub3A : i32
    %select_n3A = arith.select %and3A, %sub3A_16, %div3A : i32
    %jit3A_17 = arith.constant 2 : i32
    %eq3A = arith.constant 0 : i32
    %eq3A_18 = arith.cmpi eq, %jit3A_17, %eq3A : i32
    %jit3A_19 = arith.constant 1 : i32
    %select_n3A_20 = arith.select %eq3A_18, %jit3A_19, %jit3A_17 : i32
    %rem3A_21 = arith.remsi %add3A, %select_n3A_20 : i32
    %ne3A_22 = arith.constant 0 : i32
    %ne3A_23 = arith.cmpi ne, %rem3A_21, %ne3A_22 : i32
    %lt3A = arith.constant 0 : i32
    %lt3A_24 = arith.cmpi slt, %rem3A_21, %lt3A : i32
    %lt3A_25 = arith.constant 0 : i32
    %lt3A_26 = arith.cmpi slt, %select_n3A_20, %lt3A_25 : i32
    %ne3A_27 = arith.xori %lt3A_24, %lt3A_26 : i1
    %and3A_28 = arith.andi %ne3A_27, %ne3A_23 : i1
    %add3A_29 = arith.addi %rem3A_21, %select_n3A_20 : i32
    %select_n3A_30 = arith.select %and3A_28, %add3A_29, %rem3A_21 : i32
    %mul3A_31 = arith.constant 16 : i32
    %mul3A_32 = arith.muli %select_n3A_30, %mul3A_31 : i32
    "tpu.region"() ({
      %run_scoped3A = tpu.sem_alloc : memref<!tpu.dma_semaphore, #tpu.memory_space<semaphore_mem>>
      tpu.enqueue_dma source(%arg3 : memref<16x256xi32, #tpu.memory_space<hbm>>) target(%arg11 : memref<16x256xi32, #tpu.memory_space<vmem>>) target_semaphore(%run_scoped3A : memref<!tpu.dma_semaphore, #tpu.memory_space<semaphore_mem>>)
      tpu.wait_dma2 semaphore(%run_scoped3A : memref<!tpu.dma_semaphore, #tpu.memory_space<semaphore_mem>>) src(%arg3 : memref<16x256xi32, #tpu.memory_space<hbm>>) dst(%arg11 : memref<16x256xi32, #tpu.memory_space<vmem>>)
      tpu.yield
    }) : () -> ()
    %add3A_33 = arith.constant 48 : i32
    %add3A_34 = arith.addi %add3A_33, %select_n3A : i32
    %add3A_35 = arith.constant 0 : i32
    %add3A_36 = arith.addi %mul3A_32, %add3A_35 : i32
    %mul3A_37 = arith.constant 64 : i32
    %mul3A_38 = arith.muli %add3A_36, %mul3A_37 : i32
    %multiple_of3A = tpu.assume_multiple %mul3A_38, 64 : i32
    %eq3A_39 = arith.constant 0 : i32
    %eq3A_40 = arith.cmpi eq, %add3A_36, %eq3A_39 : i32
    %convert_element_type3A = arith.extui %eq3A_40 : i1 to i32
    %cond3A = arith.constant 0 : i32
    %cond3A_41 = arith.cmpi ne, %convert_element_type3A, %cond3A : i32
    scf.if %cond3A_41 {
      %dma_start3A = arith.constant 0 : i32
      %dma_start3A_151 = arith.constant 0 : i32
      %dma_start3A_152 = tpu.memref_slice %arg5[%dma_start3A, %dma_start3A_151] : memref<80x256xf32, #tpu.memory_space<vmem>> -> memref<8x256xf32, #tpu.memory_space<vmem>>
      %dma_start3A_153 = arith.constant 2040 : i32
      %dma_start3A_154 = arith.constant 0 : i32
      %dma_start3A_155 = tpu.memref_slice %arg2[%add3A_34, %dma_start3A_153, %dma_start3A_154] : memref<64x2048x256xf32, #tpu.memory_space<hbm>> -> memref<1x8x256xf32, #tpu.memory_space<hbm>>
      %dma_start3A_156 = tpu.memref_squeeze %dma_start3A_155 : memref<1x8x256xf32, #tpu.memory_space<hbm>> -> memref<8x256xf32, #tpu.memory_space<hbm>>
      %dma_start3A_157 = arith.constant 0 : i32
      %dma_start3A_158 = arith.constant 0 : i32
      %dma_start3A_159 = tpu.memref_slice %arg5[%dma_start3A_157, %dma_start3A_158] : memref<80x256xf32, #tpu.memory_space<vmem>> -> memref<8x256xf32, #tpu.memory_space<vmem>>
      %dma_start3A_160 = arith.constant 2040 : i32
      %dma_start3A_161 = arith.constant 0 : i32
      %dma_start3A_162 = tpu.memref_slice %arg2[%add3A_34, %dma_start3A_160, %dma_start3A_161] : memref<64x2048x256xf32, #tpu.memory_space<hbm>> -> memref<1x8x256xf32, #tpu.memory_space<hbm>>
      %dma_start3A_163 = tpu.memref_squeeze %dma_start3A_162 : memref<1x8x256xf32, #tpu.memory_space<hbm>> -> memref<8x256xf32, #tpu.memory_space<hbm>>
      tpu.enqueue_dma source(%dma_start3A_163 : memref<8x256xf32, #tpu.memory_space<hbm>>) target(%dma_start3A_159 : memref<8x256xf32, #tpu.memory_space<vmem>>) target_semaphore(%arg12 : memref<!tpu.dma_semaphore, #tpu.memory_space<semaphore_mem>>)
      %dma_start3A_164 = arith.constant 8 : i32
      %dma_start3A_165 = arith.constant 0 : i32
      %dma_start3A_166 = tpu.memref_slice %arg5[%dma_start3A_164, %dma_start3A_165] : memref<80x256xf32, #tpu.memory_space<vmem>> -> memref<72x256xf32, #tpu.memory_space<vmem>>
      %dma_start3A_167 = arith.constant 0 : i32
      %dma_start3A_168 = arith.constant 0 : i32
      %dma_start3A_169 = tpu.memref_slice %arg2[%add3A_34, %dma_start3A_167, %dma_start3A_168] : memref<64x2048x256xf32, #tpu.memory_space<hbm>> -> memref<1x72x256xf32, #tpu.memory_space<hbm>>
      %dma_start3A_170 = tpu.memref_squeeze %dma_start3A_169 : memref<1x72x256xf32, #tpu.memory_space<hbm>> -> memref<72x256xf32, #tpu.memory_space<hbm>>
      %dma_start3A_171 = arith.constant 8 : i32
      %dma_start3A_172 = arith.constant 0 : i32
      %dma_start3A_173 = tpu.memref_slice %arg5[%dma_start3A_171, %dma_start3A_172] : memref<80x256xf32, #tpu.memory_space<vmem>> -> memref<72x256xf32, #tpu.memory_space<vmem>>
      %dma_start3A_174 = arith.constant 0 : i32
      %dma_start3A_175 = arith.constant 0 : i32
      %dma_start3A_176 = tpu.memref_slice %arg2[%add3A_34, %dma_start3A_174, %dma_start3A_175] : memref<64x2048x256xf32, #tpu.memory_space<hbm>> -> memref<1x72x256xf32, #tpu.memory_space<hbm>>
      %dma_start3A_177 = tpu.memref_squeeze %dma_start3A_176 : memref<1x72x256xf32, #tpu.memory_space<hbm>> -> memref<72x256xf32, #tpu.memory_space<hbm>>
      tpu.enqueue_dma source(%dma_start3A_177 : memref<72x256xf32, #tpu.memory_space<hbm>>) target(%dma_start3A_173 : memref<72x256xf32, #tpu.memory_space<vmem>>) target_semaphore(%arg12 : memref<!tpu.dma_semaphore, #tpu.memory_space<semaphore_mem>>)
    } else {
    }
    %eq3A_42 = arith.constant 31 : i32
    %eq3A_43 = arith.cmpi eq, %add3A_36, %eq3A_42 : i32
    %convert_element_type3A_44 = arith.extui %eq3A_43 : i1 to i32
    %cond3A_45 = arith.constant 0 : i32
    %cond3A_46 = arith.cmpi ne, %convert_element_type3A_44, %cond3A_45 : i32
    scf.if %cond3A_46 {
      %sub3A_151 = arith.constant 8 : i32
      %sub3A_152 = arith.subi %multiple_of3A, %sub3A_151 : i32
      %multiple_of3A_153 = tpu.assume_multiple %sub3A_152, 8 : i32
      %dma_start3A = arith.constant 0 : i32
      %dma_start3A_154 = arith.constant 0 : i32
      %dma_start3A_155 = tpu.memref_slice %arg5[%dma_start3A, %dma_start3A_154] : memref<80x256xf32, #tpu.memory_space<vmem>> -> memref<72x256xf32, #tpu.memory_space<vmem>>
      %dma_start3A_156 = arith.constant 0 : i32
      %dma_start3A_157 = tpu.memref_slice %arg2[%add3A_34, %multiple_of3A_153, %dma_start3A_156] : memref<64x2048x256xf32, #tpu.memory_space<hbm>> -> memref<1x72x256xf32, #tpu.memory_space<hbm>>
      %dma_start3A_158 = tpu.memref_squeeze %dma_start3A_157 : memref<1x72x256xf32, #tpu.memory_space<hbm>> -> memref<72x256xf32, #tpu.memory_space<hbm>>
      %dma_start3A_159 = arith.constant 0 : i32
      %dma_start3A_160 = arith.constant 0 : i32
      %dma_start3A_161 = tpu.memref_slice %arg5[%dma_start3A_159, %dma_start3A_160] : memref<80x256xf32, #tpu.memory_space<vmem>> -> memref<72x256xf32, #tpu.memory_space<vmem>>
      %dma_start3A_162 = arith.constant 0 : i32
      %dma_start3A_163 = tpu.memref_slice %arg2[%add3A_34, %multiple_of3A_153, %dma_start3A_162] : memref<64x2048x256xf32, #tpu.memory_space<hbm>> -> memref<1x72x256xf32, #tpu.memory_space<hbm>>
      %dma_start3A_164 = tpu.memref_squeeze %dma_start3A_163 : memref<1x72x256xf32, #tpu.memory_space<hbm>> -> memref<72x256xf32, #tpu.memory_space<hbm>>
      tpu.enqueue_dma source(%dma_start3A_164 : memref<72x256xf32, #tpu.memory_space<hbm>>) target(%dma_start3A_161 : memref<72x256xf32, #tpu.memory_space<vmem>>) target_semaphore(%arg12 : memref<!tpu.dma_semaphore, #tpu.memory_space<semaphore_mem>>)
      %dma_start3A_165 = arith.constant 72 : i32
      %dma_start3A_166 = arith.constant 0 : i32
      %dma_start3A_167 = tpu.memref_slice %arg5[%dma_start3A_165, %dma_start3A_166] : memref<80x256xf32, #tpu.memory_space<vmem>> -> memref<8x256xf32, #tpu.memory_space<vmem>>
      %dma_start3A_168 = arith.constant 0 : i32
      %dma_start3A_169 = arith.constant 0 : i32
      %dma_start3A_170 = tpu.memref_slice %arg2[%add3A_34, %dma_start3A_168, %dma_start3A_169] : memref<64x2048x256xf32, #tpu.memory_space<hbm>> -> memref<1x8x256xf32, #tpu.memory_space<hbm>>
      %dma_start3A_171 = tpu.memref_squeeze %dma_start3A_170 : memref<1x8x256xf32, #tpu.memory_space<hbm>> -> memref<8x256xf32, #tpu.memory_space<hbm>>
      %dma_start3A_172 = arith.constant 72 : i32
      %dma_start3A_173 = arith.constant 0 : i32
      %dma_start3A_174 = tpu.memref_slice %arg5[%dma_start3A_172, %dma_start3A_173] : memref<80x256xf32, #tpu.memory_space<vmem>> -> memref<8x256xf32, #tpu.memory_space<vmem>>
      %dma_start3A_175 = arith.constant 0 : i32
      %dma_start3A_176 = arith.constant 0 : i32
      %dma_start3A_177 = tpu.memref_slice %arg2[%add3A_34, %dma_start3A_175, %dma_start3A_176] : memref<64x2048x256xf32, #tpu.memory_space<hbm>> -> memref<1x8x256xf32, #tpu.memory_space<hbm>>
      %dma_start3A_178 = tpu.memref_squeeze %dma_start3A_177 : memref<1x8x256xf32, #tpu.memory_space<hbm>> -> memref<8x256xf32, #tpu.memory_space<hbm>>
      tpu.enqueue_dma source(%dma_start3A_178 : memref<8x256xf32, #tpu.memory_space<hbm>>) target(%dma_start3A_174 : memref<8x256xf32, #tpu.memory_space<vmem>>) target_semaphore(%arg12 : memref<!tpu.dma_semaphore, #tpu.memory_space<semaphore_mem>>)
    } else {
    }
    %gt3A = arith.constant 0 : i32
    %gt3A_47 = arith.cmpi sgt, %add3A_36, %gt3A : i32
    %lt3A_48 = arith.constant 31 : i32
    %lt3A_49 = arith.cmpi slt, %add3A_36, %lt3A_48 : i32
    %and3A_50 = arith.andi %gt3A_47, %lt3A_49 : i1
    %convert_element_type3A_51 = arith.extui %and3A_50 : i1 to i32
    %cond3A_52 = arith.constant 0 : i32
    %cond3A_53 = arith.cmpi ne, %convert_element_type3A_51, %cond3A_52 : i32
    scf.if %cond3A_53 {
      %sub3A_151 = arith.constant 8 : i32
      %sub3A_152 = arith.subi %multiple_of3A, %sub3A_151 : i32
      %multiple_of3A_153 = tpu.assume_multiple %sub3A_152, 8 : i32
      %dma_start3A = arith.constant 0 : i32
      %dma_start3A_154 = tpu.memref_slice %arg2[%add3A_34, %multiple_of3A_153, %dma_start3A] : memref<64x2048x256xf32, #tpu.memory_space<hbm>> -> memref<1x80x256xf32, #tpu.memory_space<hbm>>
      %dma_start3A_155 = tpu.memref_squeeze %dma_start3A_154 : memref<1x80x256xf32, #tpu.memory_space<hbm>> -> memref<80x256xf32, #tpu.memory_space<hbm>>
      %dma_start3A_156 = arith.constant 0 : i32
      %dma_start3A_157 = tpu.memref_slice %arg2[%add3A_34, %multiple_of3A_153, %dma_start3A_156] : memref<64x2048x256xf32, #tpu.memory_space<hbm>> -> memref<1x80x256xf32, #tpu.memory_space<hbm>>
      %dma_start3A_158 = tpu.memref_squeeze %dma_start3A_157 : memref<1x80x256xf32, #tpu.memory_space<hbm>> -> memref<80x256xf32, #tpu.memory_space<hbm>>
      tpu.enqueue_dma source(%dma_start3A_158 : memref<80x256xf32, #tpu.memory_space<hbm>>) target(%arg5 : memref<80x256xf32, #tpu.memory_space<vmem>>) target_semaphore(%arg12 : memref<!tpu.dma_semaphore, #tpu.memory_space<semaphore_mem>>)
    } else {
    }
    %add3A_54 = arith.constant 48 : i32
    %add3A_55 = arith.addi %add3A_54, %select_n3A : i32
    %add3A_56 = arith.constant 1 : i32
    %add3A_57 = arith.addi %mul3A_32, %add3A_56 : i32
    %mul3A_58 = arith.constant 64 : i32
    %mul3A_59 = arith.muli %add3A_57, %mul3A_58 : i32
    %multiple_of3A_60 = tpu.assume_multiple %mul3A_59, 64 : i32
    %eq3A_61 = arith.constant 0 : i32
    %eq3A_62 = arith.cmpi eq, %add3A_57, %eq3A_61 : i32
    %convert_element_type3A_63 = arith.extui %eq3A_62 : i1 to i32
    %cond3A_64 = arith.constant 0 : i32
    %cond3A_65 = arith.cmpi ne, %convert_element_type3A_63, %cond3A_64 : i32
    scf.if %cond3A_65 {
      %dma_start3A = arith.constant 0 : i32
      %dma_start3A_151 = arith.constant 0 : i32
      %dma_start3A_152 = tpu.memref_slice %arg6[%dma_start3A, %dma_start3A_151] : memref<80x256xf32, #tpu.memory_space<vmem>> -> memref<8x256xf32, #tpu.memory_space<vmem>>
      %dma_start3A_153 = arith.constant 2040 : i32
      %dma_start3A_154 = arith.constant 0 : i32
      %dma_start3A_155 = tpu.memref_slice %arg2[%add3A_55, %dma_start3A_153, %dma_start3A_154] : memref<64x2048x256xf32, #tpu.memory_space<hbm>> -> memref<1x8x256xf32, #tpu.memory_space<hbm>>
      %dma_start3A_156 = tpu.memref_squeeze %dma_start3A_155 : memref<1x8x256xf32, #tpu.memory_space<hbm>> -> memref<8x256xf32, #tpu.memory_space<hbm>>
      %dma_start3A_157 = arith.constant 0 : i32
      %dma_start3A_158 = arith.constant 0 : i32
      %dma_start3A_159 = tpu.memref_slice %arg6[%dma_start3A_157, %dma_start3A_158] : memref<80x256xf32, #tpu.memory_space<vmem>> -> memref<8x256xf32, #tpu.memory_space<vmem>>
      %dma_start3A_160 = arith.constant 2040 : i32
      %dma_start3A_161 = arith.constant 0 : i32
      %dma_start3A_162 = tpu.memref_slice %arg2[%add3A_55, %dma_start3A_160, %dma_start3A_161] : memref<64x2048x256xf32, #tpu.memory_space<hbm>> -> memref<1x8x256xf32, #tpu.memory_space<hbm>>
      %dma_start3A_163 = tpu.memref_squeeze %dma_start3A_162 : memref<1x8x256xf32, #tpu.memory_space<hbm>> -> memref<8x256xf32, #tpu.memory_space<hbm>>
      tpu.enqueue_dma source(%dma_start3A_163 : memref<8x256xf32, #tpu.memory_space<hbm>>) target(%dma_start3A_159 : memref<8x256xf32, #tpu.memory_space<vmem>>) target_semaphore(%arg13 : memref<!tpu.dma_semaphore, #tpu.memory_space<semaphore_mem>>)
      %dma_start3A_164 = arith.constant 8 : i32
      %dma_start3A_165 = arith.constant 0 : i32
      %dma_start3A_166 = tpu.memref_slice %arg6[%dma_start3A_164, %dma_start3A_165] : memref<80x256xf32, #tpu.memory_space<vmem>> -> memref<72x256xf32, #tpu.memory_space<vmem>>
      %dma_start3A_167 = arith.constant 0 : i32
      %dma_start3A_168 = arith.constant 0 : i32
      %dma_start3A_169 = tpu.memref_slice %arg2[%add3A_55, %dma_start3A_167, %dma_start3A_168] : memref<64x2048x256xf32, #tpu.memory_space<hbm>> -> memref<1x72x256xf32, #tpu.memory_space<hbm>>
      %dma_start3A_170 = tpu.memref_squeeze %dma_start3A_169 : memref<1x72x256xf32, #tpu.memory_space<hbm>> -> memref<72x256xf32, #tpu.memory_space<hbm>>
      %dma_start3A_171 = arith.constant 8 : i32
      %dma_start3A_172 = arith.constant 0 : i32
      %dma_start3A_173 = tpu.memref_slice %arg6[%dma_start3A_171, %dma_start3A_172] : memref<80x256xf32, #tpu.memory_space<vmem>> -> memref<72x256xf32, #tpu.memory_space<vmem>>
      %dma_start3A_174 = arith.constant 0 : i32
      %dma_start3A_175 = arith.constant 0 : i32
      %dma_start3A_176 = tpu.memref_slice %arg2[%add3A_55, %dma_start3A_174, %dma_start3A_175] : memref<64x2048x256xf32, #tpu.memory_space<hbm>> -> memref<1x72x256xf32, #tpu.memory_space<hbm>>
      %dma_start3A_177 = tpu.memref_squeeze %dma_start3A_176 : memref<1x72x256xf32, #tpu.memory_space<hbm>> -> memref<72x256xf32, #tpu.memory_space<hbm>>
      tpu.enqueue_dma source(%dma_start3A_177 : memref<72x256xf32, #tpu.memory_space<hbm>>) target(%dma_start3A_173 : memref<72x256xf32, #tpu.memory_space<vmem>>) target_semaphore(%arg13 : memref<!tpu.dma_semaphore, #tpu.memory_space<semaphore_mem>>)
    } else {
    }
    %eq3A_66 = arith.constant 31 : i32
    %eq3A_67 = arith.cmpi eq, %add3A_57, %eq3A_66 : i32
    %convert_element_type3A_68 = arith.extui %eq3A_67 : i1 to i32
    %cond3A_69 = arith.constant 0 : i32
    %cond3A_70 = arith.cmpi ne, %convert_element_type3A_68, %cond3A_69 : i32
    scf.if %cond3A_70 {
      %sub3A_151 = arith.constant 8 : i32
      %sub3A_152 = arith.subi %multiple_of3A_60, %sub3A_151 : i32
      %multiple_of3A_153 = tpu.assume_multiple %sub3A_152, 8 : i32
      %dma_start3A = arith.constant 0 : i32
      %dma_start3A_154 = arith.constant 0 : i32
      %dma_start3A_155 = tpu.memref_slice %arg6[%dma_start3A, %dma_start3A_154] : memref<80x256xf32, #tpu.memory_space<vmem>> -> memref<72x256xf32, #tpu.memory_space<vmem>>
      %dma_start3A_156 = arith.constant 0 : i32
      %dma_start3A_157 = tpu.memref_slice %arg2[%add3A_55, %multiple_of3A_153, %dma_start3A_156] : memref<64x2048x256xf32, #tpu.memory_space<hbm>> -> memref<1x72x256xf32, #tpu.memory_space<hbm>>
      %dma_start3A_158 = tpu.memref_squeeze %dma_start3A_157 : memref<1x72x256xf32, #tpu.memory_space<hbm>> -> memref<72x256xf32, #tpu.memory_space<hbm>>
      %dma_start3A_159 = arith.constant 0 : i32
      %dma_start3A_160 = arith.constant 0 : i32
      %dma_start3A_161 = tpu.memref_slice %arg6[%dma_start3A_159, %dma_start3A_160] : memref<80x256xf32, #tpu.memory_space<vmem>> -> memref<72x256xf32, #tpu.memory_space<vmem>>
      %dma_start3A_162 = arith.constant 0 : i32
      %dma_start3A_163 = tpu.memref_slice %arg2[%add3A_55, %multiple_of3A_153, %dma_start3A_162] : memref<64x2048x256xf32, #tpu.memory_space<hbm>> -> memref<1x72x256xf32, #tpu.memory_space<hbm>>
      %dma_start3A_164 = tpu.memref_squeeze %dma_start3A_163 : memref<1x72x256xf32, #tpu.memory_space<hbm>> -> memref<72x256xf32, #tpu.memory_space<hbm>>
      tpu.enqueue_dma source(%dma_start3A_164 : memref<72x256xf32, #tpu.memory_space<hbm>>) target(%dma_start3A_161 : memref<72x256xf32, #tpu.memory_space<vmem>>) target_semaphore(%arg13 : memref<!tpu.dma_semaphore, #tpu.memory_space<semaphore_mem>>)
      %dma_start3A_165 = arith.constant 72 : i32
      %dma_start3A_166 = arith.constant 0 : i32
      %dma_start3A_167 = tpu.memref_slice %arg6[%dma_start3A_165, %dma_start3A_166] : memref<80x256xf32, #tpu.memory_space<vmem>> -> memref<8x256xf32, #tpu.memory_space<vmem>>
      %dma_start3A_168 = arith.constant 0 : i32
      %dma_start3A_169 = arith.constant 0 : i32
      %dma_start3A_170 = tpu.memref_slice %arg2[%add3A_55, %dma_start3A_168, %dma_start3A_169] : memref<64x2048x256xf32, #tpu.memory_space<hbm>> -> memref<1x8x256xf32, #tpu.memory_space<hbm>>
      %dma_start3A_171 = tpu.memref_squeeze %dma_start3A_170 : memref<1x8x256xf32, #tpu.memory_space<hbm>> -> memref<8x256xf32, #tpu.memory_space<hbm>>
      %dma_start3A_172 = arith.constant 72 : i32
      %dma_start3A_173 = arith.constant 0 : i32
      %dma_start3A_174 = tpu.memref_slice %arg6[%dma_start3A_172, %dma_start3A_173] : memref<80x256xf32, #tpu.memory_space<vmem>> -> memref<8x256xf32, #tpu.memory_space<vmem>>
      %dma_start3A_175 = arith.constant 0 : i32
      %dma_start3A_176 = arith.constant 0 : i32
      %dma_start3A_177 = tpu.memref_slice %arg2[%add3A_55, %dma_start3A_175, %dma_start3A_176] : memref<64x2048x256xf32, #tpu.memory_space<hbm>> -> memref<1x8x256xf32, #tpu.memory_space<hbm>>
      %dma_start3A_178 = tpu.memref_squeeze %dma_start3A_177 : memref<1x8x256xf32, #tpu.memory_space<hbm>> -> memref<8x256xf32, #tpu.memory_space<hbm>>
      tpu.enqueue_dma source(%dma_start3A_178 : memref<8x256xf32, #tpu.memory_space<hbm>>) target(%dma_start3A_174 : memref<8x256xf32, #tpu.memory_space<vmem>>) target_semaphore(%arg13 : memref<!tpu.dma_semaphore, #tpu.memory_space<semaphore_mem>>)
    } else {
    }
    %gt3A_71 = arith.constant 0 : i32
    %gt3A_72 = arith.cmpi sgt, %add3A_57, %gt3A_71 : i32
    %lt3A_73 = arith.constant 31 : i32
    %lt3A_74 = arith.cmpi slt, %add3A_57, %lt3A_73 : i32
    %and3A_75 = arith.andi %gt3A_72, %lt3A_74 : i1
    %convert_element_type3A_76 = arith.extui %and3A_75 : i1 to i32
    %cond3A_77 = arith.constant 0 : i32
    %cond3A_78 = arith.cmpi ne, %convert_element_type3A_76, %cond3A_77 : i32
    scf.if %cond3A_78 {
      %sub3A_151 = arith.constant 8 : i32
      %sub3A_152 = arith.subi %multiple_of3A_60, %sub3A_151 : i32
      %multiple_of3A_153 = tpu.assume_multiple %sub3A_152, 8 : i32
      %dma_start3A = arith.constant 0 : i32
      %dma_start3A_154 = tpu.memref_slice %arg2[%add3A_55, %multiple_of3A_153, %dma_start3A] : memref<64x2048x256xf32, #tpu.memory_space<hbm>> -> memref<1x80x256xf32, #tpu.memory_space<hbm>>
      %dma_start3A_155 = tpu.memref_squeeze %dma_start3A_154 : memref<1x80x256xf32, #tpu.memory_space<hbm>> -> memref<80x256xf32, #tpu.memory_space<hbm>>
      %dma_start3A_156 = arith.constant 0 : i32
      %dma_start3A_157 = tpu.memref_slice %arg2[%add3A_55, %multiple_of3A_153, %dma_start3A_156] : memref<64x2048x256xf32, #tpu.memory_space<hbm>> -> memref<1x80x256xf32, #tpu.memory_space<hbm>>
      %dma_start3A_158 = tpu.memref_squeeze %dma_start3A_157 : memref<1x80x256xf32, #tpu.memory_space<hbm>> -> memref<80x256xf32, #tpu.memory_space<hbm>>
      tpu.enqueue_dma source(%dma_start3A_158 : memref<80x256xf32, #tpu.memory_space<hbm>>) target(%arg6 : memref<80x256xf32, #tpu.memory_space<vmem>>) target_semaphore(%arg13 : memref<!tpu.dma_semaphore, #tpu.memory_space<semaphore_mem>>)
    } else {
    }
    %add3A_79 = arith.constant 48 : i32
    %add3A_80 = arith.addi %add3A_79, %select_n3A : i32
    %add3A_81 = arith.constant 2 : i32
    %add3A_82 = arith.addi %mul3A_32, %add3A_81 : i32
    %mul3A_83 = arith.constant 64 : i32
    %mul3A_84 = arith.muli %add3A_82, %mul3A_83 : i32
    %multiple_of3A_85 = tpu.assume_multiple %mul3A_84, 64 : i32
    %eq3A_86 = arith.constant 0 : i32
    %eq3A_87 = arith.cmpi eq, %add3A_82, %eq3A_86 : i32
    %convert_element_type3A_88 = arith.extui %eq3A_87 : i1 to i32
    %cond3A_89 = arith.constant 0 : i32
    %cond3A_90 = arith.cmpi ne, %convert_element_type3A_88, %cond3A_89 : i32
    scf.if %cond3A_90 {
      %dma_start3A = arith.constant 0 : i32
      %dma_start3A_151 = arith.constant 0 : i32
      %dma_start3A_152 = tpu.memref_slice %arg7[%dma_start3A, %dma_start3A_151] : memref<80x256xf32, #tpu.memory_space<vmem>> -> memref<8x256xf32, #tpu.memory_space<vmem>>
      %dma_start3A_153 = arith.constant 2040 : i32
      %dma_start3A_154 = arith.constant 0 : i32
      %dma_start3A_155 = tpu.memref_slice %arg2[%add3A_80, %dma_start3A_153, %dma_start3A_154] : memref<64x2048x256xf32, #tpu.memory_space<hbm>> -> memref<1x8x256xf32, #tpu.memory_space<hbm>>
      %dma_start3A_156 = tpu.memref_squeeze %dma_start3A_155 : memref<1x8x256xf32, #tpu.memory_space<hbm>> -> memref<8x256xf32, #tpu.memory_space<hbm>>
      %dma_start3A_157 = arith.constant 0 : i32
      %dma_start3A_158 = arith.constant 0 : i32
      %dma_start3A_159 = tpu.memref_slice %arg7[%dma_start3A_157, %dma_start3A_158] : memref<80x256xf32, #tpu.memory_space<vmem>> -> memref<8x256xf32, #tpu.memory_space<vmem>>
      %dma_start3A_160 = arith.constant 2040 : i32
      %dma_start3A_161 = arith.constant 0 : i32
      %dma_start3A_162 = tpu.memref_slice %arg2[%add3A_80, %dma_start3A_160, %dma_start3A_161] : memref<64x2048x256xf32, #tpu.memory_space<hbm>> -> memref<1x8x256xf32, #tpu.memory_space<hbm>>
      %dma_start3A_163 = tpu.memref_squeeze %dma_start3A_162 : memref<1x8x256xf32, #tpu.memory_space<hbm>> -> memref<8x256xf32, #tpu.memory_space<hbm>>
      tpu.enqueue_dma source(%dma_start3A_163 : memref<8x256xf32, #tpu.memory_space<hbm>>) target(%dma_start3A_159 : memref<8x256xf32, #tpu.memory_space<vmem>>) target_semaphore(%arg14 : memref<!tpu.dma_semaphore, #tpu.memory_space<semaphore_mem>>)
      %dma_start3A_164 = arith.constant 8 : i32
      %dma_start3A_165 = arith.constant 0 : i32
      %dma_start3A_166 = tpu.memref_slice %arg7[%dma_start3A_164, %dma_start3A_165] : memref<80x256xf32, #tpu.memory_space<vmem>> -> memref<72x256xf32, #tpu.memory_space<vmem>>
      %dma_start3A_167 = arith.constant 0 : i32
      %dma_start3A_168 = arith.constant 0 : i32
      %dma_start3A_169 = tpu.memref_slice %arg2[%add3A_80, %dma_start3A_167, %dma_start3A_168] : memref<64x2048x256xf32, #tpu.memory_space<hbm>> -> memref<1x72x256xf32, #tpu.memory_space<hbm>>
      %dma_start3A_170 = tpu.memref_squeeze %dma_start3A_169 : memref<1x72x256xf32, #tpu.memory_space<hbm>> -> memref<72x256xf32, #tpu.memory_space<hbm>>
      %dma_start3A_171 = arith.constant 8 : i32
      %dma_start3A_172 = arith.constant 0 : i32
      %dma_start3A_173 = tpu.memref_slice %arg7[%dma_start3A_171, %dma_start3A_172] : memref<80x256xf32, #tpu.memory_space<vmem>> -> memref<72x256xf32, #tpu.memory_space<vmem>>
      %dma_start3A_174 = arith.constant 0 : i32
      %dma_start3A_175 = arith.constant 0 : i32
      %dma_start3A_176 = tpu.memref_slice %arg2[%add3A_80, %dma_start3A_174, %dma_start3A_175] : memref<64x2048x256xf32, #tpu.memory_space<hbm>> -> memref<1x72x256xf32, #tpu.memory_space<hbm>>
      %dma_start3A_177 = tpu.memref_squeeze %dma_start3A_176 : memref<1x72x256xf32, #tpu.memory_space<hbm>> -> memref<72x256xf32, #tpu.memory_space<hbm>>
      tpu.enqueue_dma source(%dma_start3A_177 : memref<72x256xf32, #tpu.memory_space<hbm>>) target(%dma_start3A_173 : memref<72x256xf32, #tpu.memory_space<vmem>>) target_semaphore(%arg14 : memref<!tpu.dma_semaphore, #tpu.memory_space<semaphore_mem>>)
    } else {
    }
    %eq3A_91 = arith.constant 31 : i32
    %eq3A_92 = arith.cmpi eq, %add3A_82, %eq3A_91 : i32
    %convert_element_type3A_93 = arith.extui %eq3A_92 : i1 to i32
    %cond3A_94 = arith.constant 0 : i32
    %cond3A_95 = arith.cmpi ne, %convert_element_type3A_93, %cond3A_94 : i32
    scf.if %cond3A_95 {
      %sub3A_151 = arith.constant 8 : i32
      %sub3A_152 = arith.subi %multiple_of3A_85, %sub3A_151 : i32
      %multiple_of3A_153 = tpu.assume_multiple %sub3A_152, 8 : i32
      %dma_start3A = arith.constant 0 : i32
      %dma_start3A_154 = arith.constant 0 : i32
      %dma_start3A_155 = tpu.memref_slice %arg7[%dma_start3A, %dma_start3A_154] : memref<80x256xf32, #tpu.memory_space<vmem>> -> memref<72x256xf32, #tpu.memory_space<vmem>>
      %dma_start3A_156 = arith.constant 0 : i32
      %dma_start3A_157 = tpu.memref_slice %arg2[%add3A_80, %multiple_of3A_153, %dma_start3A_156] : memref<64x2048x256xf32, #tpu.memory_space<hbm>> -> memref<1x72x256xf32, #tpu.memory_space<hbm>>
      %dma_start3A_158 = tpu.memref_squeeze %dma_start3A_157 : memref<1x72x256xf32, #tpu.memory_space<hbm>> -> memref<72x256xf32, #tpu.memory_space<hbm>>
      %dma_start3A_159 = arith.constant 0 : i32
      %dma_start3A_160 = arith.constant 0 : i32
      %dma_start3A_161 = tpu.memref_slice %arg7[%dma_start3A_159, %dma_start3A_160] : memref<80x256xf32, #tpu.memory_space<vmem>> -> memref<72x256xf32, #tpu.memory_space<vmem>>
      %dma_start3A_162 = arith.constant 0 : i32
      %dma_start3A_163 = tpu.memref_slice %arg2[%add3A_80, %multiple_of3A_153, %dma_start3A_162] : memref<64x2048x256xf32, #tpu.memory_space<hbm>> -> memref<1x72x256xf32, #tpu.memory_space<hbm>>
      %dma_start3A_164 = tpu.memref_squeeze %dma_start3A_163 : memref<1x72x256xf32, #tpu.memory_space<hbm>> -> memref<72x256xf32, #tpu.memory_space<hbm>>
      tpu.enqueue_dma source(%dma_start3A_164 : memref<72x256xf32, #tpu.memory_space<hbm>>) target(%dma_start3A_161 : memref<72x256xf32, #tpu.memory_space<vmem>>) target_semaphore(%arg14 : memref<!tpu.dma_semaphore, #tpu.memory_space<semaphore_mem>>)
      %dma_start3A_165 = arith.constant 72 : i32
      %dma_start3A_166 = arith.constant 0 : i32
      %dma_start3A_167 = tpu.memref_slice %arg7[%dma_start3A_165, %dma_start3A_166] : memref<80x256xf32, #tpu.memory_space<vmem>> -> memref<8x256xf32, #tpu.memory_space<vmem>>
      %dma_start3A_168 = arith.constant 0 : i32
      %dma_start3A_169 = arith.constant 0 : i32
      %dma_start3A_170 = tpu.memref_slice %arg2[%add3A_80, %dma_start3A_168, %dma_start3A_169] : memref<64x2048x256xf32, #tpu.memory_space<hbm>> -> memref<1x8x256xf32, #tpu.memory_space<hbm>>
      %dma_start3A_171 = tpu.memref_squeeze %dma_start3A_170 : memref<1x8x256xf32, #tpu.memory_space<hbm>> -> memref<8x256xf32, #tpu.memory_space<hbm>>
      %dma_start3A_172 = arith.constant 72 : i32
      %dma_start3A_173 = arith.constant 0 : i32
      %dma_start3A_174 = tpu.memref_slice %arg7[%dma_start3A_172, %dma_start3A_173] : memref<80x256xf32, #tpu.memory_space<vmem>> -> memref<8x256xf32, #tpu.memory_space<vmem>>
      %dma_start3A_175 = arith.constant 0 : i32
      %dma_start3A_176 = arith.constant 0 : i32
      %dma_start3A_177 = tpu.memref_slice %arg2[%add3A_80, %dma_start3A_175, %dma_start3A_176] : memref<64x2048x256xf32, #tpu.memory_space<hbm>> -> memref<1x8x256xf32, #tpu.memory_space<hbm>>
      %dma_start3A_178 = tpu.memref_squeeze %dma_start3A_177 : memref<1x8x256xf32, #tpu.memory_space<hbm>> -> memref<8x256xf32, #tpu.memory_space<hbm>>
      tpu.enqueue_dma source(%dma_start3A_178 : memref<8x256xf32, #tpu.memory_space<hbm>>) target(%dma_start3A_174 : memref<8x256xf32, #tpu.memory_space<vmem>>) target_semaphore(%arg14 : memref<!tpu.dma_semaphore, #tpu.memory_space<semaphore_mem>>)
    } else {
    }
    %gt3A_96 = arith.constant 0 : i32
    %gt3A_97 = arith.cmpi sgt, %add3A_82, %gt3A_96 : i32
    %lt3A_98 = arith.constant 31 : i32
    %lt3A_99 = arith.cmpi slt, %add3A_82, %lt3A_98 : i32
    %and3A_100 = arith.andi %gt3A_97, %lt3A_99 : i1
    %convert_element_type3A_101 = arith.extui %and3A_100 : i1 to i32
    %cond3A_102 = arith.constant 0 : i32
    %cond3A_103 = arith.cmpi ne, %convert_element_type3A_101, %cond3A_102 : i32
    scf.if %cond3A_103 {
      %sub3A_151 = arith.constant 8 : i32
      %sub3A_152 = arith.subi %multiple_of3A_85, %sub3A_151 : i32
      %multiple_of3A_153 = tpu.assume_multiple %sub3A_152, 8 : i32
      %dma_start3A = arith.constant 0 : i32
      %dma_start3A_154 = tpu.memref_slice %arg2[%add3A_80, %multiple_of3A_153, %dma_start3A] : memref<64x2048x256xf32, #tpu.memory_space<hbm>> -> memref<1x80x256xf32, #tpu.memory_space<hbm>>
      %dma_start3A_155 = tpu.memref_squeeze %dma_start3A_154 : memref<1x80x256xf32, #tpu.memory_space<hbm>> -> memref<80x256xf32, #tpu.memory_space<hbm>>
      %dma_start3A_156 = arith.constant 0 : i32
      %dma_start3A_157 = tpu.memref_slice %arg2[%add3A_80, %multiple_of3A_153, %dma_start3A_156] : memref<64x2048x256xf32, #tpu.memory_space<hbm>> -> memref<1x80x256xf32, #tpu.memory_space<hbm>>
      %dma_start3A_158 = tpu.memref_squeeze %dma_start3A_157 : memref<1x80x256xf32, #tpu.memory_space<hbm>> -> memref<80x256xf32, #tpu.memory_space<hbm>>
      tpu.enqueue_dma source(%dma_start3A_158 : memref<80x256xf32, #tpu.memory_space<hbm>>) target(%arg7 : memref<80x256xf32, #tpu.memory_space<vmem>>) target_semaphore(%arg14 : memref<!tpu.dma_semaphore, #tpu.memory_space<semaphore_mem>>)
    } else {
    }
    %add3A_104 = arith.constant 48 : i32
    %add3A_105 = arith.addi %add3A_104, %select_n3A : i32
    %add3A_106 = arith.constant 3 : i32
    %add3A_107 = arith.addi %mul3A_32, %add3A_106 : i32
    %mul3A_108 = arith.constant 64 : i32
    %mul3A_109 = arith.muli %add3A_107, %mul3A_108 : i32
    %multiple_of3A_110 = tpu.assume_multiple %mul3A_109, 64 : i32
    %eq3A_111 = arith.constant 0 : i32
    %eq3A_112 = arith.cmpi eq, %add3A_107, %eq3A_111 : i32
    %convert_element_type3A_113 = arith.extui %eq3A_112 : i1 to i32
    %cond3A_114 = arith.constant 0 : i32
    %cond3A_115 = arith.cmpi ne, %convert_element_type3A_113, %cond3A_114 : i32
    scf.if %cond3A_115 {
      %dma_start3A = arith.constant 0 : i32
      %dma_start3A_151 = arith.constant 0 : i32
      %dma_start3A_152 = tpu.memref_slice %arg8[%dma_start3A, %dma_start3A_151] : memref<80x256xf32, #tpu.memory_space<vmem>> -> memref<8x256xf32, #tpu.memory_space<vmem>>
      %dma_start3A_153 = arith.constant 2040 : i32
      %dma_start3A_154 = arith.constant 0 : i32
      %dma_start3A_155 = tpu.memref_slice %arg2[%add3A_105, %dma_start3A_153, %dma_start3A_154] : memref<64x2048x256xf32, #tpu.memory_space<hbm>> -> memref<1x8x256xf32, #tpu.memory_space<hbm>>
      %dma_start3A_156 = tpu.memref_squeeze %dma_start3A_155 : memref<1x8x256xf32, #tpu.memory_space<hbm>> -> memref<8x256xf32, #tpu.memory_space<hbm>>
      %dma_start3A_157 = arith.constant 0 : i32
      %dma_start3A_158 = arith.constant 0 : i32
      %dma_start3A_159 = tpu.memref_slice %arg8[%dma_start3A_157, %dma_start3A_158] : memref<80x256xf32, #tpu.memory_space<vmem>> -> memref<8x256xf32, #tpu.memory_space<vmem>>
      %dma_start3A_160 = arith.constant 2040 : i32
      %dma_start3A_161 = arith.constant 0 : i32
      %dma_start3A_162 = tpu.memref_slice %arg2[%add3A_105, %dma_start3A_160, %dma_start3A_161] : memref<64x2048x256xf32, #tpu.memory_space<hbm>> -> memref<1x8x256xf32, #tpu.memory_space<hbm>>
      %dma_start3A_163 = tpu.memref_squeeze %dma_start3A_162 : memref<1x8x256xf32, #tpu.memory_space<hbm>> -> memref<8x256xf32, #tpu.memory_space<hbm>>
      tpu.enqueue_dma source(%dma_start3A_163 : memref<8x256xf32, #tpu.memory_space<hbm>>) target(%dma_start3A_159 : memref<8x256xf32, #tpu.memory_space<vmem>>) target_semaphore(%arg15 : memref<!tpu.dma_semaphore, #tpu.memory_space<semaphore_mem>>)
      %dma_start3A_164 = arith.constant 8 : i32
      %dma_start3A_165 = arith.constant 0 : i32
      %dma_start3A_166 = tpu.memref_slice %arg8[%dma_start3A_164, %dma_start3A_165] : memref<80x256xf32, #tpu.memory_space<vmem>> -> memref<72x256xf32, #tpu.memory_space<vmem>>
      %dma_start3A_167 = arith.constant 0 : i32
      %dma_start3A_168 = arith.constant 0 : i32
      %dma_start3A_169 = tpu.memref_slice %arg2[%add3A_105, %dma_start3A_167, %dma_start3A_168] : memref<64x2048x256xf32, #tpu.memory_space<hbm>> -> memref<1x72x256xf32, #tpu.memory_space<hbm>>
      %dma_start3A_170 = tpu.memref_squeeze %dma_start3A_169 : memref<1x72x256xf32, #tpu.memory_space<hbm>> -> memref<72x256xf32, #tpu.memory_space<hbm>>
      %dma_start3A_171 = arith.constant 8 : i32
      %dma_start3A_172 = arith.constant 0 : i32
      %dma_start3A_173 = tpu.memref_slice %arg8[%dma_start3A_171, %dma_start3A_172] : memref<80x256xf32, #tpu.memory_space<vmem>> -> memref<72x256xf32, #tpu.memory_space<vmem>>
      %dma_start3A_174 = arith.constant 0 : i32
      %dma_start3A_175 = arith.constant 0 : i32
      %dma_start3A_176 = tpu.memref_slice %arg2[%add3A_105, %dma_start3A_174, %dma_start3A_175] : memref<64x2048x256xf32, #tpu.memory_space<hbm>> -> memref<1x72x256xf32, #tpu.memory_space<hbm>>
      %dma_start3A_177 = tpu.memref_squeeze %dma_start3A_176 : memref<1x72x256xf32, #tpu.memory_space<hbm>> -> memref<72x256xf32, #tpu.memory_space<hbm>>
      tpu.enqueue_dma source(%dma_start3A_177 : memref<72x256xf32, #tpu.memory_space<hbm>>) target(%dma_start3A_173 : memref<72x256xf32, #tpu.memory_space<vmem>>) target_semaphore(%arg15 : memref<!tpu.dma_semaphore, #tpu.memory_space<semaphore_mem>>)
    } else {
    }
    %eq3A_116 = arith.constant 31 : i32
    %eq3A_117 = arith.cmpi eq, %add3A_107, %eq3A_116 : i32
    %convert_element_type3A_118 = arith.extui %eq3A_117 : i1 to i32
    %cond3A_119 = arith.constant 0 : i32
    %cond3A_120 = arith.cmpi ne, %convert_element_type3A_118, %cond3A_119 : i32
    scf.if %cond3A_120 {
      %sub3A_151 = arith.constant 8 : i32
      %sub3A_152 = arith.subi %multiple_of3A_110, %sub3A_151 : i32
      %multiple_of3A_153 = tpu.assume_multiple %sub3A_152, 8 : i32
      %dma_start3A = arith.constant 0 : i32
      %dma_start3A_154 = arith.constant 0 : i32
      %dma_start3A_155 = tpu.memref_slice %arg8[%dma_start3A, %dma_start3A_154] : memref<80x256xf32, #tpu.memory_space<vmem>> -> memref<72x256xf32, #tpu.memory_space<vmem>>
      %dma_start3A_156 = arith.constant 0 : i32
      %dma_start3A_157 = tpu.memref_slice %arg2[%add3A_105, %multiple_of3A_153, %dma_start3A_156] : memref<64x2048x256xf32, #tpu.memory_space<hbm>> -> memref<1x72x256xf32, #tpu.memory_space<hbm>>
      %dma_start3A_158 = tpu.memref_squeeze %dma_start3A_157 : memref<1x72x256xf32, #tpu.memory_space<hbm>> -> memref<72x256xf32, #tpu.memory_space<hbm>>
      %dma_start3A_159 = arith.constant 0 : i32
      %dma_start3A_160 = arith.constant 0 : i32
      %dma_start3A_161 = tpu.memref_slice %arg8[%dma_start3A_159, %dma_start3A_160] : memref<80x256xf32, #tpu.memory_space<vmem>> -> memref<72x256xf32, #tpu.memory_space<vmem>>
      %dma_start3A_162 = arith.constant 0 : i32
      %dma_start3A_163 = tpu.memref_slice %arg2[%add3A_105, %multiple_of3A_153, %dma_start3A_162] : memref<64x2048x256xf32, #tpu.memory_space<hbm>> -> memref<1x72x256xf32, #tpu.memory_space<hbm>>
      %dma_start3A_164 = tpu.memref_squeeze %dma_start3A_163 : memref<1x72x256xf32, #tpu.memory_space<hbm>> -> memref<72x256xf32, #tpu.memory_space<hbm>>
      tpu.enqueue_dma source(%dma_start3A_164 : memref<72x256xf32, #tpu.memory_space<hbm>>) target(%dma_start3A_161 : memref<72x256xf32, #tpu.memory_space<vmem>>) target_semaphore(%arg15 : memref<!tpu.dma_semaphore, #tpu.memory_space<semaphore_mem>>)
      %dma_start3A_165 = arith.constant 72 : i32
      %dma_start3A_166 = arith.constant 0 : i32
      %dma_start3A_167 = tpu.memref_slice %arg8[%dma_start3A_165, %dma_start3A_166] : memref<80x256xf32, #tpu.memory_space<vmem>> -> memref<8x256xf32, #tpu.memory_space<vmem>>
      %dma_start3A_168 = arith.constant 0 : i32
      %dma_start3A_169 = arith.constant 0 : i32
      %dma_start3A_170 = tpu.memref_slice %arg2[%add3A_105, %dma_start3A_168, %dma_start3A_169] : memref<64x2048x256xf32, #tpu.memory_space<hbm>> -> memref<1x8x256xf32, #tpu.memory_space<hbm>>
      %dma_start3A_171 = tpu.memref_squeeze %dma_start3A_170 : memref<1x8x256xf32, #tpu.memory_space<hbm>> -> memref<8x256xf32, #tpu.memory_space<hbm>>
      %dma_start3A_172 = arith.constant 72 : i32
      %dma_start3A_173 = arith.constant 0 : i32
      %dma_start3A_174 = tpu.memref_slice %arg8[%dma_start3A_172, %dma_start3A_173] : memref<80x256xf32, #tpu.memory_space<vmem>> -> memref<8x256xf32, #tpu.memory_space<vmem>>
      %dma_start3A_175 = arith.constant 0 : i32
      %dma_start3A_176 = arith.constant 0 : i32
      %dma_start3A_177 = tpu.memref_slice %arg2[%add3A_105, %dma_start3A_175, %dma_start3A_176] : memref<64x2048x256xf32, #tpu.memory_space<hbm>> -> memref<1x8x256xf32, #tpu.memory_space<hbm>>
      %dma_start3A_178 = tpu.memref_squeeze %dma_start3A_177 : memref<1x8x256xf32, #tpu.memory_space<hbm>> -> memref<8x256xf32, #tpu.memory_space<hbm>>
      tpu.enqueue_dma source(%dma_start3A_178 : memref<8x256xf32, #tpu.memory_space<hbm>>) target(%dma_start3A_174 : memref<8x256xf32, #tpu.memory_space<vmem>>) target_semaphore(%arg15 : memref<!tpu.dma_semaphore, #tpu.memory_space<semaphore_mem>>)
    } else {
    }
    %gt3A_121 = arith.constant 0 : i32
    %gt3A_122 = arith.cmpi sgt, %add3A_107, %gt3A_121 : i32
    %lt3A_123 = arith.constant 31 : i32
    %lt3A_124 = arith.cmpi slt, %add3A_107, %lt3A_123 : i32
    %and3A_125 = arith.andi %gt3A_122, %lt3A_124 : i1
    %convert_element_type3A_126 = arith.extui %and3A_125 : i1 to i32
    %cond3A_127 = arith.constant 0 : i32
    %cond3A_128 = arith.cmpi ne, %convert_element_type3A_126, %cond3A_127 : i32
    scf.if %cond3A_128 {
      %sub3A_151 = arith.constant 8 : i32
      %sub3A_152 = arith.subi %multiple_of3A_110, %sub3A_151 : i32
      %multiple_of3A_153 = tpu.assume_multiple %sub3A_152, 8 : i32
      %dma_start3A = arith.constant 0 : i32
      %dma_start3A_154 = tpu.memref_slice %arg2[%add3A_105, %multiple_of3A_153, %dma_start3A] : memref<64x2048x256xf32, #tpu.memory_space<hbm>> -> memref<1x80x256xf32, #tpu.memory_space<hbm>>
      %dma_start3A_155 = tpu.memref_squeeze %dma_start3A_154 : memref<1x80x256xf32, #tpu.memory_space<hbm>> -> memref<80x256xf32, #tpu.memory_space<hbm>>
      %dma_start3A_156 = arith.constant 0 : i32
      %dma_start3A_157 = tpu.memref_slice %arg2[%add3A_105, %multiple_of3A_153, %dma_start3A_156] : memref<64x2048x256xf32, #tpu.memory_space<hbm>> -> memref<1x80x256xf32, #tpu.memory_space<hbm>>
      %dma_start3A_158 = tpu.memref_squeeze %dma_start3A_157 : memref<1x80x256xf32, #tpu.memory_space<hbm>> -> memref<80x256xf32, #tpu.memory_space<hbm>>
      tpu.enqueue_dma source(%dma_start3A_158 : memref<80x256xf32, #tpu.memory_space<hbm>>) target(%arg8 : memref<80x256xf32, #tpu.memory_space<vmem>>) target_semaphore(%arg15 : memref<!tpu.dma_semaphore, #tpu.memory_space<semaphore_mem>>)
    } else {
    }
    %scan3A = arith.constant 0 : i32
    %scan3A_129 = arith.constant 0 : i32
    %scan3A_130 = arith.constant 4 : i32
    %scan3A_131 = arith.addi %scan3A_129, %scan3A_130 : i32
    %scan3A_132 = arith.constant 1 : i32
    scf.for %scan3A_151 = %scan3A_129 to %scan3A_131 step %scan3A_132  : i32 {
      %mul3A_152 = arith.constant 4 : i32
      %mul3A_153 = arith.muli %mul3A_152, %scan3A_151 : i32
      %add3A_154 = arith.constant 0 : i32
      %add3A_155 = arith.addi %mul3A_153, %add3A_154 : i32
      %dma_wait3A_156 = arith.constant 0 : i32
      %dma_wait3A_157 = arith.constant 0 : i32
      %dma_wait3A_158 = arith.constant 0 : i32
      %dma_wait3A_159 = tpu.memref_slice %arg2[%dma_wait3A_156, %dma_wait3A_157, %dma_wait3A_158] : memref<64x2048x256xf32, #tpu.memory_space<hbm>> -> memref<1x80x256xf32, #tpu.memory_space<hbm>>
      %dma_wait3A_160 = tpu.memref_squeeze %dma_wait3A_159 : memref<1x80x256xf32, #tpu.memory_space<hbm>> -> memref<80x256xf32, #tpu.memory_space<hbm>>
      %dma_wait3A_161 = arith.constant 0 : i32
      %dma_wait3A_162 = arith.constant 0 : i32
      %dma_wait3A_163 = tpu.memref_slice %arg2[%dma_wait3A_156, %dma_wait3A_161, %dma_wait3A_162] : memref<64x2048x256xf32, #tpu.memory_space<hbm>> -> memref<1x80x256xf32, #tpu.memory_space<hbm>>
      %dma_wait3A_164 = tpu.memref_squeeze %dma_wait3A_163 : memref<1x80x256xf32, #tpu.memory_space<hbm>> -> memref<80x256xf32, #tpu.memory_space<hbm>>
      tpu.wait_dma2 semaphore(%arg12 : memref<!tpu.dma_semaphore, #tpu.memory_space<semaphore_mem>>) src(%dma_wait3A_164 : memref<80x256xf32, #tpu.memory_space<hbm>>) dst(%arg5 : memref<80x256xf32, #tpu.memory_space<vmem>>)
      %ge3A = arith.constant 2 : i32
      %ge3A_165 = arith.cmpi sge, %add3A_155, %ge3A : i32
      %convert_element_type3A_166 = arith.extui %ge3A_165 : i1 to i32
      %cond3A_167 = arith.constant 0 : i32
      %cond3A_168 = arith.cmpi ne, %convert_element_type3A_166, %cond3A_167 : i32
      scf.if %cond3A_168 {
        %dma_wait3A_314 = arith.constant 0 : i32
        %dma_wait3A_315 = arith.constant 0 : i32
        %dma_wait3A_316 = arith.constant 0 : i32
        %dma_wait3A_317 = tpu.memref_slice %arg4[%dma_wait3A_314, %dma_wait3A_315, %dma_wait3A_316] : memref<16x2048x256xf32, #tpu.memory_space<hbm>> -> memref<1x64x256xf32, #tpu.memory_space<hbm>>
        %dma_wait3A_318 = tpu.memref_squeeze %dma_wait3A_317 : memref<1x64x256xf32, #tpu.memory_space<hbm>> -> memref<64x256xf32, #tpu.memory_space<hbm>>
        %dma_wait3A_319 = arith.constant 0 : i32
        %dma_wait3A_320 = arith.constant 0 : i32
        %dma_wait3A_321 = tpu.memref_slice %arg4[%dma_wait3A_314, %dma_wait3A_319, %dma_wait3A_320] : memref<16x2048x256xf32, #tpu.memory_space<hbm>> -> memref<1x64x256xf32, #tpu.memory_space<hbm>>
        %dma_wait3A_322 = tpu.memref_squeeze %dma_wait3A_321 : memref<1x64x256xf32, #tpu.memory_space<hbm>> -> memref<64x256xf32, #tpu.memory_space<hbm>>
        tpu.wait_dma2 semaphore(%arg16 : memref<!tpu.dma_semaphore, #tpu.memory_space<semaphore_mem>>) src(%arg9 : memref<64x256xf32, #tpu.memory_space<vmem>>) dst(%dma_wait3A_322 : memref<64x256xf32, #tpu.memory_space<hbm>>)
      } else {
      }
      %scan3A_169 = arith.constant 0 : i32
      %scan3A_170 = arith.constant 0 : i32
      %scan3A_171 = arith.constant 16 : i32
      %scan3A_172 = arith.addi %scan3A_170, %scan3A_171 : i32
      %scan3A_173 = arith.constant 1 : i32
      scf.for %scan3A_314 = %scan3A_170 to %scan3A_172 step %scan3A_173  : i32 {
        %mul3A_315 = arith.constant 16 : i32
        %mul3A_316 = arith.muli %scan3A_314, %mul3A_315 : i32
        %get3A = arith.index_cast %select_n3A : i32 to index
        %get3A_317 = arith.index_cast %mul3A_316 : i32 to index
        %get3A_318 = tpu.vector_load %arg11[%get3A, %get3A_317] {strides = array<i32>} : memref<16x256xi32, #tpu.memory_space<vmem>>, vector<16xi32>,
        %sub3A_319 = arith.constant 8 : i32
        %sub3A_320 = vector.broadcast %sub3A_319 : i32 to vector<16xi32>
        %sub3A_321 = arith.subi %sub3A_320, %get3A_318 : vector<16xi32>
        %iota3A = tpu.iota {dimensions = array<i32: 0>} : vector<16xi32>
        %add3A_322 = vector.broadcast %mul3A_316 : i32 to vector<16xi32>
        %add3A_323 = arith.addi %iota3A, %add3A_322 : vector<16xi32>
        %parallel_loop3A = arith.constant 0 : i32
        %parallel_loop3A_324 = arith.constant 64 : i32
        %parallel_loop3A_325 = arith.constant 1 : i32
        scf.for %parallel_loop3A_326 = %parallel_loop3A to %parallel_loop3A_324 step %parallel_loop3A_325  : i32 {
          %parallel_loop3A_327 = vector.broadcast %parallel_loop3A_326 : i32 to vector<16xi32>
          %parallel_loop3A_328 = arith.addi %sub3A_321, %parallel_loop3A_327 : vector<16xi32>
          %parallel_loop3A_329 = tpu.vector_load_idx %arg5[%parallel_loop3A_328, %add3A_323] : memref<80x256xf32, #tpu.memory_space<vmem>>[vector<16xi32>, vector<16xi32>], vector<16xf32>,
          %parallel_loop3A_330 = arith.index_cast %parallel_loop3A_326 : i32 to index
          %parallel_loop3A_331 = arith.index_cast %mul3A_316 : i32 to index
          %parallel_loop3A_332 = tpu.vector_load %arg9[%parallel_loop3A_330, %parallel_loop3A_331] {strides = array<i32>} : memref<64x256xf32, #tpu.memory_space<vmem>>, vector<16xf32>,
          tpu.vector_store %arg9[%parallel_loop3A_330, %parallel_loop3A_331], %parallel_loop3A_329 {strides = array<i32>} : memref<64x256xf32, #tpu.memory_space<vmem>>, vector<16xf32>,
        } {sc.loop_unroll_factor = 8 : i64, sc.parallel_access}
      }
      %scan3A_174 = arith.constant 16 : i32
      %add3A_175 = arith.addi %mul3A_32, %add3A_155 : i32
      %mul3A_176 = arith.constant 64 : i32
      %mul3A_177 = arith.muli %add3A_175, %mul3A_176 : i32
      %multiple_of3A_178 = tpu.assume_multiple %mul3A_177, 64 : i32
      %dma_start3A = arith.constant 0 : i32
      %dma_start3A_179 = tpu.memref_slice %arg4[%select_n3A, %multiple_of3A_178, %dma_start3A] : memref<16x2048x256xf32, #tpu.memory_space<hbm>> -> memref<1x64x256xf32, #tpu.memory_space<hbm>>
      %dma_start3A_180 = tpu.memref_squeeze %dma_start3A_179 : memref<1x64x256xf32, #tpu.memory_space<hbm>> -> memref<64x256xf32, #tpu.memory_space<hbm>>
      %dma_start3A_181 = arith.constant 0 : i32
      %dma_start3A_182 = tpu.memref_slice %arg4[%select_n3A, %multiple_of3A_178, %dma_start3A_181] : memref<16x2048x256xf32, #tpu.memory_space<hbm>> -> memref<1x64x256xf32, #tpu.memory_space<hbm>>
      %dma_start3A_183 = tpu.memref_squeeze %dma_start3A_182 : memref<1x64x256xf32, #tpu.memory_space<hbm>> -> memref<64x256xf32, #tpu.memory_space<hbm>>
      tpu.enqueue_dma source(%arg9 : memref<64x256xf32, #tpu.memory_space<vmem>>) target(%dma_start3A_183 : memref<64x256xf32, #tpu.memory_space<hbm>>) target_semaphore(%arg16 : memref<!tpu.dma_semaphore, #tpu.memory_space<semaphore_mem>>)
      %add3A_184 = arith.constant 4 : i32
      %add3A_185 = arith.addi %add3A_155, %add3A_184 : i32
      %lt3A_186 = arith.constant 16 : i32
      %lt3A_187 = arith.cmpi slt, %add3A_185, %lt3A_186 : i32
      %convert_element_type3A_188 = arith.extui %lt3A_187 : i1 to i32
      %cond3A_189 = arith.constant 0 : i32
      %cond3A_190 = arith.cmpi ne, %convert_element_type3A_188, %cond3A_189 : i32
      scf.if %cond3A_190 {
        %add3A_314 = arith.constant 4 : i32
        %add3A_315 = arith.addi %add3A_155, %add3A_314 : i32
        %add3A_316 = arith.constant 48 : i32
        %add3A_317 = arith.addi %add3A_316, %select_n3A : i32
        %add3A_318 = arith.addi %mul3A_32, %add3A_315 : i32
        %mul3A_319 = arith.constant 64 : i32
        %mul3A_320 = arith.muli %add3A_318, %mul3A_319 : i32
        %multiple_of3A_321 = tpu.assume_multiple %mul3A_320, 64 : i32
        %eq3A_322 = arith.constant 0 : i32
        %eq3A_323 = arith.cmpi eq, %add3A_318, %eq3A_322 : i32
        %convert_element_type3A_324 = arith.extui %eq3A_323 : i1 to i32
        %cond3A_325 = arith.constant 0 : i32
        %cond3A_326 = arith.cmpi ne, %convert_element_type3A_324, %cond3A_325 : i32
        scf.if %cond3A_326 {
          %dma_start3A_340 = arith.constant 0 : i32
          %dma_start3A_341 = arith.constant 0 : i32
          %dma_start3A_342 = tpu.memref_slice %arg5[%dma_start3A_340, %dma_start3A_341] : memref<80x256xf32, #tpu.memory_space<vmem>> -> memref<8x256xf32, #tpu.memory_space<vmem>>
          %dma_start3A_343 = arith.constant 2040 : i32
          %dma_start3A_344 = arith.constant 0 : i32
          %dma_start3A_345 = tpu.memref_slice %arg2[%add3A_317, %dma_start3A_343, %dma_start3A_344] : memref<64x2048x256xf32, #tpu.memory_space<hbm>> -> memref<1x8x256xf32, #tpu.memory_space<hbm>>
          %dma_start3A_346 = tpu.memref_squeeze %dma_start3A_345 : memref<1x8x256xf32, #tpu.memory_space<hbm>> -> memref<8x256xf32, #tpu.memory_space<hbm>>
          %dma_start3A_347 = arith.constant 0 : i32
          %dma_start3A_348 = arith.constant 0 : i32
          %dma_start3A_349 = tpu.memref_slice %arg5[%dma_start3A_347, %dma_start3A_348] : memref<80x256xf32, #tpu.memory_space<vmem>> -> memref<8x256xf32, #tpu.memory_space<vmem>>
          %dma_start3A_350 = arith.constant 2040 : i32
          %dma_start3A_351 = arith.constant 0 : i32
          %dma_start3A_352 = tpu.memref_slice %arg2[%add3A_317, %dma_start3A_350, %dma_start3A_351] : memref<64x2048x256xf32, #tpu.memory_space<hbm>> -> memref<1x8x256xf32, #tpu.memory_space<hbm>>
          %dma_start3A_353 = tpu.memref_squeeze %dma_start3A_352 : memref<1x8x256xf32, #tpu.memory_space<hbm>> -> memref<8x256xf32, #tpu.memory_space<hbm>>
          tpu.enqueue_dma source(%dma_start3A_353 : memref<8x256xf32, #tpu.memory_space<hbm>>) target(%dma_start3A_349 : memref<8x256xf32, #tpu.memory_space<vmem>>) target_semaphore(%arg12 : memref<!tpu.dma_semaphore, #tpu.memory_space<semaphore_mem>>)
          %dma_start3A_354 = arith.constant 8 : i32
          %dma_start3A_355 = arith.constant 0 : i32
          %dma_start3A_356 = tpu.memref_slice %arg5[%dma_start3A_354, %dma_start3A_355] : memref<80x256xf32, #tpu.memory_space<vmem>> -> memref<72x256xf32, #tpu.memory_space<vmem>>
          %dma_start3A_357 = arith.constant 0 : i32
          %dma_start3A_358 = arith.constant 0 : i32
          %dma_start3A_359 = tpu.memref_slice %arg2[%add3A_317, %dma_start3A_357, %dma_start3A_358] : memref<64x2048x256xf32, #tpu.memory_space<hbm>> -> memref<1x72x256xf32, #tpu.memory_space<hbm>>
          %dma_start3A_360 = tpu.memref_squeeze %dma_start3A_359 : memref<1x72x256xf32, #tpu.memory_space<hbm>> -> memref<72x256xf32, #tpu.memory_space<hbm>>
          %dma_start3A_361 = arith.constant 8 : i32
          %dma_start3A_362 = arith.constant 0 : i32
          %dma_start3A_363 = tpu.memref_slice %arg5[%dma_start3A_361, %dma_start3A_362] : memref<80x256xf32, #tpu.memory_space<vmem>> -> memref<72x256xf32, #tpu.memory_space<vmem>>
          %dma_start3A_364 = arith.constant 0 : i32
          %dma_start3A_365 = arith.constant 0 : i32
          %dma_start3A_366 = tpu.memref_slice %arg2[%add3A_317, %dma_start3A_364, %dma_start3A_365] : memref<64x2048x256xf32, #tpu.memory_space<hbm>> -> memref<1x72x256xf32, #tpu.memory_space<hbm>>
          %dma_start3A_367 = tpu.memref_squeeze %dma_start3A_366 : memref<1x72x256xf32, #tpu.memory_space<hbm>> -> memref<72x256xf32, #tpu.memory_space<hbm>>
          tpu.enqueue_dma source(%dma_start3A_367 : memref<72x256xf32, #tpu.memory_space<hbm>>) target(%dma_start3A_363 : memref<72x256xf32, #tpu.memory_space<vmem>>) target_semaphore(%arg12 : memref<!tpu.dma_semaphore, #tpu.memory_space<semaphore_mem>>)
        } else {
        }
        %eq3A_327 = arith.constant 31 : i32
        %eq3A_328 = arith.cmpi eq, %add3A_318, %eq3A_327 : i32
        %convert_element_type3A_329 = arith.extui %eq3A_328 : i1 to i32
        %cond3A_330 = arith.constant 0 : i32
        %cond3A_331 = arith.cmpi ne, %convert_element_type3A_329, %cond3A_330 : i32
        scf.if %cond3A_331 {
          %sub3A_340 = arith.constant 8 : i32
          %sub3A_341 = arith.subi %multiple_of3A_321, %sub3A_340 : i32
          %multiple_of3A_342 = tpu.assume_multiple %sub3A_341, 8 : i32
          %dma_start3A_343 = arith.constant 0 : i32
          %dma_start3A_344 = arith.constant 0 : i32
          %dma_start3A_345 = tpu.memref_slice %arg5[%dma_start3A_343, %dma_start3A_344] : memref<80x256xf32, #tpu.memory_space<vmem>> -> memref<72x256xf32, #tpu.memory_space<vmem>>
          %dma_start3A_346 = arith.constant 0 : i32
          %dma_start3A_347 = tpu.memref_slice %arg2[%add3A_317, %multiple_of3A_342, %dma_start3A_346] : memref<64x2048x256xf32, #tpu.memory_space<hbm>> -> memref<1x72x256xf32, #tpu.memory_space<hbm>>
          %dma_start3A_348 = tpu.memref_squeeze %dma_start3A_347 : memref<1x72x256xf32, #tpu.memory_space<hbm>> -> memref<72x256xf32, #tpu.memory_space<hbm>>
          %dma_start3A_349 = arith.constant 0 : i32
          %dma_start3A_350 = arith.constant 0 : i32
          %dma_start3A_351 = tpu.memref_slice %arg5[%dma_start3A_349, %dma_start3A_350] : memref<80x256xf32, #tpu.memory_space<vmem>> -> memref<72x256xf32, #tpu.memory_space<vmem>>
          %dma_start3A_352 = arith.constant 0 : i32
          %dma_start3A_353 = tpu.memref_slice %arg2[%add3A_317, %multiple_of3A_342, %dma_start3A_352] : memref<64x2048x256xf32, #tpu.memory_space<hbm>> -> memref<1x72x256xf32, #tpu.memory_space<hbm>>
          %dma_start3A_354 = tpu.memref_squeeze %dma_start3A_353 : memref<1x72x256xf32, #tpu.memory_space<hbm>> -> memref<72x256xf32, #tpu.memory_space<hbm>>
          tpu.enqueue_dma source(%dma_start3A_354 : memref<72x256xf32, #tpu.memory_space<hbm>>) target(%dma_start3A_351 : memref<72x256xf32, #tpu.memory_space<vmem>>) target_semaphore(%arg12 : memref<!tpu.dma_semaphore, #tpu.memory_space<semaphore_mem>>)
          %dma_start3A_355 = arith.constant 72 : i32
          %dma_start3A_356 = arith.constant 0 : i32
          %dma_start3A_357 = tpu.memref_slice %arg5[%dma_start3A_355, %dma_start3A_356] : memref<80x256xf32, #tpu.memory_space<vmem>> -> memref<8x256xf32, #tpu.memory_space<vmem>>
          %dma_start3A_358 = arith.constant 0 : i32
          %dma_start3A_359 = arith.constant 0 : i32
          %dma_start3A_360 = tpu.memref_slice %arg2[%add3A_317, %dma_start3A_358, %dma_start3A_359] : memref<64x2048x256xf32, #tpu.memory_space<hbm>> -> memref<1x8x256xf32, #tpu.memory_space<hbm>>
          %dma_start3A_361 = tpu.memref_squeeze %dma_start3A_360 : memref<1x8x256xf32, #tpu.memory_space<hbm>> -> memref<8x256xf32, #tpu.memory_space<hbm>>
          %dma_start3A_362 = arith.constant 72 : i32
          %dma_start3A_363 = arith.constant 0 : i32
          %dma_start3A_364 = tpu.memref_slice %arg5[%dma_start3A_362, %dma_start3A_363] : memref<80x256xf32, #tpu.memory_space<vmem>> -> memref<8x256xf32, #tpu.memory_space<vmem>>
          %dma_start3A_365 = arith.constant 0 : i32
          %dma_start3A_366 = arith.constant 0 : i32
          %dma_start3A_367 = tpu.memref_slice %arg2[%add3A_317, %dma_start3A_365, %dma_start3A_366] : memref<64x2048x256xf32, #tpu.memory_space<hbm>> -> memref<1x8x256xf32, #tpu.memory_space<hbm>>
          %dma_start3A_368 = tpu.memref_squeeze %dma_start3A_367 : memref<1x8x256xf32, #tpu.memory_space<hbm>> -> memref<8x256xf32, #tpu.memory_space<hbm>>
          tpu.enqueue_dma source(%dma_start3A_368 : memref<8x256xf32, #tpu.memory_space<hbm>>) target(%dma_start3A_364 : memref<8x256xf32, #tpu.memory_space<vmem>>) target_semaphore(%arg12 : memref<!tpu.dma_semaphore, #tpu.memory_space<semaphore_mem>>)
        } else {
        }
        %gt3A_332 = arith.constant 0 : i32
        %gt3A_333 = arith.cmpi sgt, %add3A_318, %gt3A_332 : i32
        %lt3A_334 = arith.constant 31 : i32
        %lt3A_335 = arith.cmpi slt, %add3A_318, %lt3A_334 : i32
        %and3A_336 = arith.andi %gt3A_333, %lt3A_335 : i1
        %convert_element_type3A_337 = arith.extui %and3A_336 : i1 to i32
        %cond3A_338 = arith.constant 0 : i32
        %cond3A_339 = arith.cmpi ne, %convert_element_type3A_337, %cond3A_338 : i32
        scf.if %cond3A_339 {
          %sub3A_340 = arith.constant 8 : i32
          %sub3A_341 = arith.subi %multiple_of3A_321, %sub3A_340 : i32
          %multiple_of3A_342 = tpu.assume_multiple %sub3A_341, 8 : i32
          %dma_start3A_343 = arith.constant 0 : i32
          %dma_start3A_344 = tpu.memref_slice %arg2[%add3A_317, %multiple_of3A_342, %dma_start3A_343] : memref<64x2048x256xf32, #tpu.memory_space<hbm>> -> memref<1x80x256xf32, #tpu.memory_space<hbm>>
          %dma_start3A_345 = tpu.memref_squeeze %dma_start3A_344 : memref<1x80x256xf32, #tpu.memory_space<hbm>> -> memref<80x256xf32, #tpu.memory_space<hbm>>
          %dma_start3A_346 = arith.constant 0 : i32
          %dma_start3A_347 = tpu.memref_slice %arg2[%add3A_317, %multiple_of3A_342, %dma_start3A_346] : memref<64x2048x256xf32, #tpu.memory_space<hbm>> -> memref<1x80x256xf32, #tpu.memory_space<hbm>>
          %dma_start3A_348 = tpu.memref_squeeze %dma_start3A_347 : memref<1x80x256xf32, #tpu.memory_space<hbm>> -> memref<80x256xf32, #tpu.memory_space<hbm>>
          tpu.enqueue_dma source(%dma_start3A_348 : memref<80x256xf32, #tpu.memory_space<hbm>>) target(%arg5 : memref<80x256xf32, #tpu.memory_space<vmem>>) target_semaphore(%arg12 : memref<!tpu.dma_semaphore, #tpu.memory_space<semaphore_mem>>)
        } else {
        }
      } else {
      }
      %mul3A_191 = arith.constant 4 : i32
      %mul3A_192 = arith.muli %mul3A_191, %scan3A_151 : i32
      %add3A_193 = arith.constant 1 : i32
      %add3A_194 = arith.addi %mul3A_192, %add3A_193 : i32
      %dma_wait3A_195 = arith.constant 0 : i32
      %dma_wait3A_196 = arith.constant 0 : i32
      %dma_wait3A_197 = arith.constant 0 : i32
      %dma_wait3A_198 = tpu.memref_slice %arg2[%dma_wait3A_195, %dma_wait3A_196, %dma_wait3A_197] : memref<64x2048x256xf32, #tpu.memory_space<hbm>> -> memref<1x80x256xf32, #tpu.memory_space<hbm>>
      %dma_wait3A_199 = tpu.memref_squeeze %dma_wait3A_198 : memref<1x80x256xf32, #tpu.memory_space<hbm>> -> memref<80x256xf32, #tpu.memory_space<hbm>>
      %dma_wait3A_200 = arith.constant 0 : i32
      %dma_wait3A_201 = arith.constant 0 : i32
      %dma_wait3A_202 = tpu.memref_slice %arg2[%dma_wait3A_195, %dma_wait3A_200, %dma_wait3A_201] : memref<64x2048x256xf32, #tpu.memory_space<hbm>> -> memref<1x80x256xf32, #tpu.memory_space<hbm>>
      %dma_wait3A_203 = tpu.memref_squeeze %dma_wait3A_202 : memref<1x80x256xf32, #tpu.memory_space<hbm>> -> memref<80x256xf32, #tpu.memory_space<hbm>>
      tpu.wait_dma2 semaphore(%arg13 : memref<!tpu.dma_semaphore, #tpu.memory_space<semaphore_mem>>) src(%dma_wait3A_203 : memref<80x256xf32, #tpu.memory_space<hbm>>) dst(%arg6 : memref<80x256xf32, #tpu.memory_space<vmem>>)
      %ge3A_204 = arith.constant 2 : i32
      %ge3A_205 = arith.cmpi sge, %add3A_194, %ge3A_204 : i32
      %convert_element_type3A_206 = arith.extui %ge3A_205 : i1 to i32
      %cond3A_207 = arith.constant 0 : i32
      %cond3A_208 = arith.cmpi ne, %convert_element_type3A_206, %cond3A_207 : i32
      scf.if %cond3A_208 {
        %dma_wait3A_314 = arith.constant 0 : i32
        %dma_wait3A_315 = arith.constant 0 : i32
        %dma_wait3A_316 = arith.constant 0 : i32
        %dma_wait3A_317 = tpu.memref_slice %arg4[%dma_wait3A_314, %dma_wait3A_315, %dma_wait3A_316] : memref<16x2048x256xf32, #tpu.memory_space<hbm>> -> memref<1x64x256xf32, #tpu.memory_space<hbm>>
        %dma_wait3A_318 = tpu.memref_squeeze %dma_wait3A_317 : memref<1x64x256xf32, #tpu.memory_space<hbm>> -> memref<64x256xf32, #tpu.memory_space<hbm>>
        %dma_wait3A_319 = arith.constant 0 : i32
        %dma_wait3A_320 = arith.constant 0 : i32
        %dma_wait3A_321 = tpu.memref_slice %arg4[%dma_wait3A_314, %dma_wait3A_319, %dma_wait3A_320] : memref<16x2048x256xf32, #tpu.memory_space<hbm>> -> memref<1x64x256xf32, #tpu.memory_space<hbm>>
        %dma_wait3A_322 = tpu.memref_squeeze %dma_wait3A_321 : memref<1x64x256xf32, #tpu.memory_space<hbm>> -> memref<64x256xf32, #tpu.memory_space<hbm>>
        tpu.wait_dma2 semaphore(%arg17 : memref<!tpu.dma_semaphore, #tpu.memory_space<semaphore_mem>>) src(%arg10 : memref<64x256xf32, #tpu.memory_space<vmem>>) dst(%dma_wait3A_322 : memref<64x256xf32, #tpu.memory_space<hbm>>)
      } else {
      }
      %scan3A_209 = arith.constant 0 : i32
      %scan3A_210 = arith.constant 0 : i32
      %scan3A_211 = arith.constant 16 : i32
      %scan3A_212 = arith.addi %scan3A_210, %scan3A_211 : i32
      %scan3A_213 = arith.constant 1 : i32
      scf.for %scan3A_314 = %scan3A_210 to %scan3A_212 step %scan3A_213  : i32 {
        %mul3A_315 = arith.constant 16 : i32
        %mul3A_316 = arith.muli %scan3A_314, %mul3A_315 : i32
        %get3A = arith.index_cast %select_n3A : i32 to index
        %get3A_317 = arith.index_cast %mul3A_316 : i32 to index
        %get3A_318 = tpu.vector_load %arg11[%get3A, %get3A_317] {strides = array<i32>} : memref<16x256xi32, #tpu.memory_space<vmem>>, vector<16xi32>,
        %sub3A_319 = arith.constant 8 : i32
        %sub3A_320 = vector.broadcast %sub3A_319 : i32 to vector<16xi32>
        %sub3A_321 = arith.subi %sub3A_320, %get3A_318 : vector<16xi32>
        %iota3A = tpu.iota {dimensions = array<i32: 0>} : vector<16xi32>
        %add3A_322 = vector.broadcast %mul3A_316 : i32 to vector<16xi32>
        %add3A_323 = arith.addi %iota3A, %add3A_322 : vector<16xi32>
        %parallel_loop3A = arith.constant 0 : i32
        %parallel_loop3A_324 = arith.constant 64 : i32
        %parallel_loop3A_325 = arith.constant 1 : i32
        scf.for %parallel_loop3A_326 = %parallel_loop3A to %parallel_loop3A_324 step %parallel_loop3A_325  : i32 {
          %parallel_loop3A_327 = vector.broadcast %parallel_loop3A_326 : i32 to vector<16xi32>
          %parallel_loop3A_328 = arith.addi %sub3A_321, %parallel_loop3A_327 : vector<16xi32>
          %parallel_loop3A_329 = tpu.vector_load_idx %arg6[%parallel_loop3A_328, %add3A_323] : memref<80x256xf32, #tpu.memory_space<vmem>>[vector<16xi32>, vector<16xi32>], vector<16xf32>,
          %parallel_loop3A_330 = arith.index_cast %parallel_loop3A_326 : i32 to index
          %parallel_loop3A_331 = arith.index_cast %mul3A_316 : i32 to index
          %parallel_loop3A_332 = tpu.vector_load %arg10[%parallel_loop3A_330, %parallel_loop3A_331] {strides = array<i32>} : memref<64x256xf32, #tpu.memory_space<vmem>>, vector<16xf32>,
          tpu.vector_store %arg10[%parallel_loop3A_330, %parallel_loop3A_331], %parallel_loop3A_329 {strides = array<i32>} : memref<64x256xf32, #tpu.memory_space<vmem>>, vector<16xf32>,
        } {sc.loop_unroll_factor = 8 : i64, sc.parallel_access}
      }
      %scan3A_214 = arith.constant 16 : i32
      %add3A_215 = arith.addi %mul3A_32, %add3A_194 : i32
      %mul3A_216 = arith.constant 64 : i32
      %mul3A_217 = arith.muli %add3A_215, %mul3A_216 : i32
      %multiple_of3A_218 = tpu.assume_multiple %mul3A_217, 64 : i32
      %dma_start3A_219 = arith.constant 0 : i32
      %dma_start3A_220 = tpu.memref_slice %arg4[%select_n3A, %multiple_of3A_218, %dma_start3A_219] : memref<16x2048x256xf32, #tpu.memory_space<hbm>> -> memref<1x64x256xf32, #tpu.memory_space<hbm>>
      %dma_start3A_221 = tpu.memref_squeeze %dma_start3A_220 : memref<1x64x256xf32, #tpu.memory_space<hbm>> -> memref<64x256xf32, #tpu.memory_space<hbm>>
      %dma_start3A_222 = arith.constant 0 : i32
      %dma_start3A_223 = tpu.memref_slice %arg4[%select_n3A, %multiple_of3A_218, %dma_start3A_222] : memref<16x2048x256xf32, #tpu.memory_space<hbm>> -> memref<1x64x256xf32, #tpu.memory_space<hbm>>
      %dma_start3A_224 = tpu.memref_squeeze %dma_start3A_223 : memref<1x64x256xf32, #tpu.memory_space<hbm>> -> memref<64x256xf32, #tpu.memory_space<hbm>>
      tpu.enqueue_dma source(%arg10 : memref<64x256xf32, #tpu.memory_space<vmem>>) target(%dma_start3A_224 : memref<64x256xf32, #tpu.memory_space<hbm>>) target_semaphore(%arg17 : memref<!tpu.dma_semaphore, #tpu.memory_space<semaphore_mem>>)
      %add3A_225 = arith.constant 4 : i32
      %add3A_226 = arith.addi %add3A_194, %add3A_225 : i32
      %lt3A_227 = arith.constant 16 : i32
      %lt3A_228 = arith.cmpi slt, %add3A_226, %lt3A_227 : i32
      %convert_element_type3A_229 = arith.extui %lt3A_228 : i1 to i32
      %cond3A_230 = arith.constant 0 : i32
      %cond3A_231 = arith.cmpi ne, %convert_element_type3A_229, %cond3A_230 : i32
      scf.if %cond3A_231 {
        %add3A_314 = arith.constant 4 : i32
        %add3A_315 = arith.addi %add3A_194, %add3A_314 : i32
        %add3A_316 = arith.constant 48 : i32
        %add3A_317 = arith.addi %add3A_316, %select_n3A : i32
        %add3A_318 = arith.addi %mul3A_32, %add3A_315 : i32
        %mul3A_319 = arith.constant 64 : i32
        %mul3A_320 = arith.muli %add3A_318, %mul3A_319 : i32
        %multiple_of3A_321 = tpu.assume_multiple %mul3A_320, 64 : i32
        %eq3A_322 = arith.constant 0 : i32
        %eq3A_323 = arith.cmpi eq, %add3A_318, %eq3A_322 : i32
        %convert_element_type3A_324 = arith.extui %eq3A_323 : i1 to i32
        %cond3A_325 = arith.constant 0 : i32
        %cond3A_326 = arith.cmpi ne, %convert_element_type3A_324, %cond3A_325 : i32
        scf.if %cond3A_326 {
          %dma_start3A_340 = arith.constant 0 : i32
          %dma_start3A_341 = arith.constant 0 : i32
          %dma_start3A_342 = tpu.memref_slice %arg6[%dma_start3A_340, %dma_start3A_341] : memref<80x256xf32, #tpu.memory_space<vmem>> -> memref<8x256xf32, #tpu.memory_space<vmem>>
          %dma_start3A_343 = arith.constant 2040 : i32
          %dma_start3A_344 = arith.constant 0 : i32
          %dma_start3A_345 = tpu.memref_slice %arg2[%add3A_317, %dma_start3A_343, %dma_start3A_344] : memref<64x2048x256xf32, #tpu.memory_space<hbm>> -> memref<1x8x256xf32, #tpu.memory_space<hbm>>
          %dma_start3A_346 = tpu.memref_squeeze %dma_start3A_345 : memref<1x8x256xf32, #tpu.memory_space<hbm>> -> memref<8x256xf32, #tpu.memory_space<hbm>>
          %dma_start3A_347 = arith.constant 0 : i32
          %dma_start3A_348 = arith.constant 0 : i32
          %dma_start3A_349 = tpu.memref_slice %arg6[%dma_start3A_347, %dma_start3A_348] : memref<80x256xf32, #tpu.memory_space<vmem>> -> memref<8x256xf32, #tpu.memory_space<vmem>>
          %dma_start3A_350 = arith.constant 2040 : i32
          %dma_start3A_351 = arith.constant 0 : i32
          %dma_start3A_352 = tpu.memref_slice %arg2[%add3A_317, %dma_start3A_350, %dma_start3A_351] : memref<64x2048x256xf32, #tpu.memory_space<hbm>> -> memref<1x8x256xf32, #tpu.memory_space<hbm>>
          %dma_start3A_353 = tpu.memref_squeeze %dma_start3A_352 : memref<1x8x256xf32, #tpu.memory_space<hbm>> -> memref<8x256xf32, #tpu.memory_space<hbm>>
          tpu.enqueue_dma source(%dma_start3A_353 : memref<8x256xf32, #tpu.memory_space<hbm>>) target(%dma_start3A_349 : memref<8x256xf32, #tpu.memory_space<vmem>>) target_semaphore(%arg13 : memref<!tpu.dma_semaphore, #tpu.memory_space<semaphore_mem>>)
          %dma_start3A_354 = arith.constant 8 : i32
          %dma_start3A_355 = arith.constant 0 : i32
          %dma_start3A_356 = tpu.memref_slice %arg6[%dma_start3A_354, %dma_start3A_355] : memref<80x256xf32, #tpu.memory_space<vmem>> -> memref<72x256xf32, #tpu.memory_space<vmem>>
          %dma_start3A_357 = arith.constant 0 : i32
          %dma_start3A_358 = arith.constant 0 : i32
          %dma_start3A_359 = tpu.memref_slice %arg2[%add3A_317, %dma_start3A_357, %dma_start3A_358] : memref<64x2048x256xf32, #tpu.memory_space<hbm>> -> memref<1x72x256xf32, #tpu.memory_space<hbm>>
          %dma_start3A_360 = tpu.memref_squeeze %dma_start3A_359 : memref<1x72x256xf32, #tpu.memory_space<hbm>> -> memref<72x256xf32, #tpu.memory_space<hbm>>
          %dma_start3A_361 = arith.constant 8 : i32
          %dma_start3A_362 = arith.constant 0 : i32
          %dma_start3A_363 = tpu.memref_slice %arg6[%dma_start3A_361, %dma_start3A_362] : memref<80x256xf32, #tpu.memory_space<vmem>> -> memref<72x256xf32, #tpu.memory_space<vmem>>
          %dma_start3A_364 = arith.constant 0 : i32
          %dma_start3A_365 = arith.constant 0 : i32
          %dma_start3A_366 = tpu.memref_slice %arg2[%add3A_317, %dma_start3A_364, %dma_start3A_365] : memref<64x2048x256xf32, #tpu.memory_space<hbm>> -> memref<1x72x256xf32, #tpu.memory_space<hbm>>
          %dma_start3A_367 = tpu.memref_squeeze %dma_start3A_366 : memref<1x72x256xf32, #tpu.memory_space<hbm>> -> memref<72x256xf32, #tpu.memory_space<hbm>>
          tpu.enqueue_dma source(%dma_start3A_367 : memref<72x256xf32, #tpu.memory_space<hbm>>) target(%dma_start3A_363 : memref<72x256xf32, #tpu.memory_space<vmem>>) target_semaphore(%arg13 : memref<!tpu.dma_semaphore, #tpu.memory_space<semaphore_mem>>)
        } else {
        }
        %eq3A_327 = arith.constant 31 : i32
        %eq3A_328 = arith.cmpi eq, %add3A_318, %eq3A_327 : i32
        %convert_element_type3A_329 = arith.extui %eq3A_328 : i1 to i32
        %cond3A_330 = arith.constant 0 : i32
        %cond3A_331 = arith.cmpi ne, %convert_element_type3A_329, %cond3A_330 : i32
        scf.if %cond3A_331 {
          %sub3A_340 = arith.constant 8 : i32
          %sub3A_341 = arith.subi %multiple_of3A_321, %sub3A_340 : i32
          %multiple_of3A_342 = tpu.assume_multiple %sub3A_341, 8 : i32
          %dma_start3A_343 = arith.constant 0 : i32
          %dma_start3A_344 = arith.constant 0 : i32
          %dma_start3A_345 = tpu.memref_slice %arg6[%dma_start3A_343, %dma_start3A_344] : memref<80x256xf32, #tpu.memory_space<vmem>> -> memref<72x256xf32, #tpu.memory_space<vmem>>
          %dma_start3A_346 = arith.constant 0 : i32
          %dma_start3A_347 = tpu.memref_slice %arg2[%add3A_317, %multiple_of3A_342, %dma_start3A_346] : memref<64x2048x256xf32, #tpu.memory_space<hbm>> -> memref<1x72x256xf32, #tpu.memory_space<hbm>>
          %dma_start3A_348 = tpu.memref_squeeze %dma_start3A_347 : memref<1x72x256xf32, #tpu.memory_space<hbm>> -> memref<72x256xf32, #tpu.memory_space<hbm>>
          %dma_start3A_349 = arith.constant 0 : i32
          %dma_start3A_350 = arith.constant 0 : i32
          %dma_start3A_351 = tpu.memref_slice %arg6[%dma_start3A_349, %dma_start3A_350] : memref<80x256xf32, #tpu.memory_space<vmem>> -> memref<72x256xf32, #tpu.memory_space<vmem>>
          %dma_start3A_352 = arith.constant 0 : i32
          %dma_start3A_353 = tpu.memref_slice %arg2[%add3A_317, %multiple_of3A_342, %dma_start3A_352] : memref<64x2048x256xf32, #tpu.memory_space<hbm>> -> memref<1x72x256xf32, #tpu.memory_space<hbm>>
          %dma_start3A_354 = tpu.memref_squeeze %dma_start3A_353 : memref<1x72x256xf32, #tpu.memory_space<hbm>> -> memref<72x256xf32, #tpu.memory_space<hbm>>
          tpu.enqueue_dma source(%dma_start3A_354 : memref<72x256xf32, #tpu.memory_space<hbm>>) target(%dma_start3A_351 : memref<72x256xf32, #tpu.memory_space<vmem>>) target_semaphore(%arg13 : memref<!tpu.dma_semaphore, #tpu.memory_space<semaphore_mem>>)
          %dma_start3A_355 = arith.constant 72 : i32
          %dma_start3A_356 = arith.constant 0 : i32
          %dma_start3A_357 = tpu.memref_slice %arg6[%dma_start3A_355, %dma_start3A_356] : memref<80x256xf32, #tpu.memory_space<vmem>> -> memref<8x256xf32, #tpu.memory_space<vmem>>
          %dma_start3A_358 = arith.constant 0 : i32
          %dma_start3A_359 = arith.constant 0 : i32
          %dma_start3A_360 = tpu.memref_slice %arg2[%add3A_317, %dma_start3A_358, %dma_start3A_359] : memref<64x2048x256xf32, #tpu.memory_space<hbm>> -> memref<1x8x256xf32, #tpu.memory_space<hbm>>
          %dma_start3A_361 = tpu.memref_squeeze %dma_start3A_360 : memref<1x8x256xf32, #tpu.memory_space<hbm>> -> memref<8x256xf32, #tpu.memory_space<hbm>>
          %dma_start3A_362 = arith.constant 72 : i32
          %dma_start3A_363 = arith.constant 0 : i32
          %dma_start3A_364 = tpu.memref_slice %arg6[%dma_start3A_362, %dma_start3A_363] : memref<80x256xf32, #tpu.memory_space<vmem>> -> memref<8x256xf32, #tpu.memory_space<vmem>>
          %dma_start3A_365 = arith.constant 0 : i32
          %dma_start3A_366 = arith.constant 0 : i32
          %dma_start3A_367 = tpu.memref_slice %arg2[%add3A_317, %dma_start3A_365, %dma_start3A_366] : memref<64x2048x256xf32, #tpu.memory_space<hbm>> -> memref<1x8x256xf32, #tpu.memory_space<hbm>>
          %dma_start3A_368 = tpu.memref_squeeze %dma_start3A_367 : memref<1x8x256xf32, #tpu.memory_space<hbm>> -> memref<8x256xf32, #tpu.memory_space<hbm>>
          tpu.enqueue_dma source(%dma_start3A_368 : memref<8x256xf32, #tpu.memory_space<hbm>>) target(%dma_start3A_364 : memref<8x256xf32, #tpu.memory_space<vmem>>) target_semaphore(%arg13 : memref<!tpu.dma_semaphore, #tpu.memory_space<semaphore_mem>>)
        } else {
        }
        %gt3A_332 = arith.constant 0 : i32
        %gt3A_333 = arith.cmpi sgt, %add3A_318, %gt3A_332 : i32
        %lt3A_334 = arith.constant 31 : i32
        %lt3A_335 = arith.cmpi slt, %add3A_318, %lt3A_334 : i32
        %and3A_336 = arith.andi %gt3A_333, %lt3A_335 : i1
        %convert_element_type3A_337 = arith.extui %and3A_336 : i1 to i32
        %cond3A_338 = arith.constant 0 : i32
        %cond3A_339 = arith.cmpi ne, %convert_element_type3A_337, %cond3A_338 : i32
        scf.if %cond3A_339 {
          %sub3A_340 = arith.constant 8 : i32
          %sub3A_341 = arith.subi %multiple_of3A_321, %sub3A_340 : i32
          %multiple_of3A_342 = tpu.assume_multiple %sub3A_341, 8 : i32
          %dma_start3A_343 = arith.constant 0 : i32
          %dma_start3A_344 = tpu.memref_slice %arg2[%add3A_317, %multiple_of3A_342, %dma_start3A_343] : memref<64x2048x256xf32, #tpu.memory_space<hbm>> -> memref<1x80x256xf32, #tpu.memory_space<hbm>>
          %dma_start3A_345 = tpu.memref_squeeze %dma_start3A_344 : memref<1x80x256xf32, #tpu.memory_space<hbm>> -> memref<80x256xf32, #tpu.memory_space<hbm>>
          %dma_start3A_346 = arith.constant 0 : i32
          %dma_start3A_347 = tpu.memref_slice %arg2[%add3A_317, %multiple_of3A_342, %dma_start3A_346] : memref<64x2048x256xf32, #tpu.memory_space<hbm>> -> memref<1x80x256xf32, #tpu.memory_space<hbm>>
          %dma_start3A_348 = tpu.memref_squeeze %dma_start3A_347 : memref<1x80x256xf32, #tpu.memory_space<hbm>> -> memref<80x256xf32, #tpu.memory_space<hbm>>
          tpu.enqueue_dma source(%dma_start3A_348 : memref<80x256xf32, #tpu.memory_space<hbm>>) target(%arg6 : memref<80x256xf32, #tpu.memory_space<vmem>>) target_semaphore(%arg13 : memref<!tpu.dma_semaphore, #tpu.memory_space<semaphore_mem>>)
        } else {
        }
      } else {
      }
      %mul3A_232 = arith.constant 4 : i32
      %mul3A_233 = arith.muli %mul3A_232, %scan3A_151 : i32
      %add3A_234 = arith.constant 2 : i32
      %add3A_235 = arith.addi %mul3A_233, %add3A_234 : i32
      %dma_wait3A_236 = arith.constant 0 : i32
      %dma_wait3A_237 = arith.constant 0 : i32
      %dma_wait3A_238 = arith.constant 0 : i32
      %dma_wait3A_239 = tpu.memref_slice %arg2[%dma_wait3A_236, %dma_wait3A_237, %dma_wait3A_238] : memref<64x2048x256xf32, #tpu.memory_space<hbm>> -> memref<1x80x256xf32, #tpu.memory_space<hbm>>
      %dma_wait3A_240 = tpu.memref_squeeze %dma_wait3A_239 : memref<1x80x256xf32, #tpu.memory_space<hbm>> -> memref<80x256xf32, #tpu.memory_space<hbm>>
      %dma_wait3A_241 = arith.constant 0 : i32
      %dma_wait3A_242 = arith.constant 0 : i32
      %dma_wait3A_243 = tpu.memref_slice %arg2[%dma_wait3A_236, %dma_wait3A_241, %dma_wait3A_242] : memref<64x2048x256xf32, #tpu.memory_space<hbm>> -> memref<1x80x256xf32, #tpu.memory_space<hbm>>
      %dma_wait3A_244 = tpu.memref_squeeze %dma_wait3A_243 : memref<1x80x256xf32, #tpu.memory_space<hbm>> -> memref<80x256xf32, #tpu.memory_space<hbm>>
      tpu.wait_dma2 semaphore(%arg14 : memref<!tpu.dma_semaphore, #tpu.memory_space<semaphore_mem>>) src(%dma_wait3A_244 : memref<80x256xf32, #tpu.memory_space<hbm>>) dst(%arg7 : memref<80x256xf32, #tpu.memory_space<vmem>>)
      %ge3A_245 = arith.constant 2 : i32
      %ge3A_246 = arith.cmpi sge, %add3A_235, %ge3A_245 : i32
      %convert_element_type3A_247 = arith.extui %ge3A_246 : i1 to i32
      %cond3A_248 = arith.constant 0 : i32
      %cond3A_249 = arith.cmpi ne, %convert_element_type3A_247, %cond3A_248 : i32
      scf.if %cond3A_249 {
        %dma_wait3A_314 = arith.constant 0 : i32
        %dma_wait3A_315 = arith.constant 0 : i32
        %dma_wait3A_316 = arith.constant 0 : i32
        %dma_wait3A_317 = tpu.memref_slice %arg4[%dma_wait3A_314, %dma_wait3A_315, %dma_wait3A_316] : memref<16x2048x256xf32, #tpu.memory_space<hbm>> -> memref<1x64x256xf32, #tpu.memory_space<hbm>>
        %dma_wait3A_318 = tpu.memref_squeeze %dma_wait3A_317 : memref<1x64x256xf32, #tpu.memory_space<hbm>> -> memref<64x256xf32, #tpu.memory_space<hbm>>
        %dma_wait3A_319 = arith.constant 0 : i32
        %dma_wait3A_320 = arith.constant 0 : i32
        %dma_wait3A_321 = tpu.memref_slice %arg4[%dma_wait3A_314, %dma_wait3A_319, %dma_wait3A_320] : memref<16x2048x256xf32, #tpu.memory_space<hbm>> -> memref<1x64x256xf32, #tpu.memory_space<hbm>>
        %dma_wait3A_322 = tpu.memref_squeeze %dma_wait3A_321 : memref<1x64x256xf32, #tpu.memory_space<hbm>> -> memref<64x256xf32, #tpu.memory_space<hbm>>
        tpu.wait_dma2 semaphore(%arg16 : memref<!tpu.dma_semaphore, #tpu.memory_space<semaphore_mem>>) src(%arg9 : memref<64x256xf32, #tpu.memory_space<vmem>>) dst(%dma_wait3A_322 : memref<64x256xf32, #tpu.memory_space<hbm>>)
      } else {
      }
      %scan3A_250 = arith.constant 0 : i32
      %scan3A_251 = arith.constant 0 : i32
      %scan3A_252 = arith.constant 16 : i32
      %scan3A_253 = arith.addi %scan3A_251, %scan3A_252 : i32
      %scan3A_254 = arith.constant 1 : i32
      scf.for %scan3A_314 = %scan3A_251 to %scan3A_253 step %scan3A_254  : i32 {
        %mul3A_315 = arith.constant 16 : i32
        %mul3A_316 = arith.muli %scan3A_314, %mul3A_315 : i32
        %get3A = arith.index_cast %select_n3A : i32 to index
        %get3A_317 = arith.index_cast %mul3A_316 : i32 to index
        %get3A_318 = tpu.vector_load %arg11[%get3A, %get3A_317] {strides = array<i32>} : memref<16x256xi32, #tpu.memory_space<vmem>>, vector<16xi32>,
        %sub3A_319 = arith.constant 8 : i32
        %sub3A_320 = vector.broadcast %sub3A_319 : i32 to vector<16xi32>
        %sub3A_321 = arith.subi %sub3A_320, %get3A_318 : vector<16xi32>
        %iota3A = tpu.iota {dimensions = array<i32: 0>} : vector<16xi32>
        %add3A_322 = vector.broadcast %mul3A_316 : i32 to vector<16xi32>
        %add3A_323 = arith.addi %iota3A, %add3A_322 : vector<16xi32>
        %parallel_loop3A = arith.constant 0 : i32
        %parallel_loop3A_324 = arith.constant 64 : i32
        %parallel_loop3A_325 = arith.constant 1 : i32
        scf.for %parallel_loop3A_326 = %parallel_loop3A to %parallel_loop3A_324 step %parallel_loop3A_325  : i32 {
          %parallel_loop3A_327 = vector.broadcast %parallel_loop3A_326 : i32 to vector<16xi32>
          %parallel_loop3A_328 = arith.addi %sub3A_321, %parallel_loop3A_327 : vector<16xi32>
          %parallel_loop3A_329 = tpu.vector_load_idx %arg7[%parallel_loop3A_328, %add3A_323] : memref<80x256xf32, #tpu.memory_space<vmem>>[vector<16xi32>, vector<16xi32>], vector<16xf32>,
          %parallel_loop3A_330 = arith.index_cast %parallel_loop3A_326 : i32 to index
          %parallel_loop3A_331 = arith.index_cast %mul3A_316 : i32 to index
          %parallel_loop3A_332 = tpu.vector_load %arg9[%parallel_loop3A_330, %parallel_loop3A_331] {strides = array<i32>} : memref<64x256xf32, #tpu.memory_space<vmem>>, vector<16xf32>,
          tpu.vector_store %arg9[%parallel_loop3A_330, %parallel_loop3A_331], %parallel_loop3A_329 {strides = array<i32>} : memref<64x256xf32, #tpu.memory_space<vmem>>, vector<16xf32>,
        } {sc.loop_unroll_factor = 8 : i64, sc.parallel_access}
      }
      %scan3A_255 = arith.constant 16 : i32
      %add3A_256 = arith.addi %mul3A_32, %add3A_235 : i32
      %mul3A_257 = arith.constant 64 : i32
      %mul3A_258 = arith.muli %add3A_256, %mul3A_257 : i32
      %multiple_of3A_259 = tpu.assume_multiple %mul3A_258, 64 : i32
      %dma_start3A_260 = arith.constant 0 : i32
      %dma_start3A_261 = tpu.memref_slice %arg4[%select_n3A, %multiple_of3A_259, %dma_start3A_260] : memref<16x2048x256xf32, #tpu.memory_space<hbm>> -> memref<1x64x256xf32, #tpu.memory_space<hbm>>
      %dma_start3A_262 = tpu.memref_squeeze %dma_start3A_261 : memref<1x64x256xf32, #tpu.memory_space<hbm>> -> memref<64x256xf32, #tpu.memory_space<hbm>>
      %dma_start3A_263 = arith.constant 0 : i32
      %dma_start3A_264 = tpu.memref_slice %arg4[%select_n3A, %multiple_of3A_259, %dma_start3A_263] : memref<16x2048x256xf32, #tpu.memory_space<hbm>> -> memref<1x64x256xf32, #tpu.memory_space<hbm>>
      %dma_start3A_265 = tpu.memref_squeeze %dma_start3A_264 : memref<1x64x256xf32, #tpu.memory_space<hbm>> -> memref<64x256xf32, #tpu.memory_space<hbm>>
      tpu.enqueue_dma source(%arg9 : memref<64x256xf32, #tpu.memory_space<vmem>>) target(%dma_start3A_265 : memref<64x256xf32, #tpu.memory_space<hbm>>) target_semaphore(%arg16 : memref<!tpu.dma_semaphore, #tpu.memory_space<semaphore_mem>>)
      %add3A_266 = arith.constant 4 : i32
      %add3A_267 = arith.addi %add3A_235, %add3A_266 : i32
      %lt3A_268 = arith.constant 16 : i32
      %lt3A_269 = arith.cmpi slt, %add3A_267, %lt3A_268 : i32
      %convert_element_type3A_270 = arith.extui %lt3A_269 : i1 to i32
      %cond3A_271 = arith.constant 0 : i32
      %cond3A_272 = arith.cmpi ne, %convert_element_type3A_270, %cond3A_271 : i32
      scf.if %cond3A_272 {
        %add3A_314 = arith.constant 4 : i32
        %add3A_315 = arith.addi %add3A_235, %add3A_314 : i32
        %add3A_316 = arith.constant 48 : i32
        %add3A_317 = arith.addi %add3A_316, %select_n3A : i32
        %add3A_318 = arith.addi %mul3A_32, %add3A_315 : i32
        %mul3A_319 = arith.constant 64 : i32
        %mul3A_320 = arith.muli %add3A_318, %mul3A_319 : i32
        %multiple_of3A_321 = tpu.assume_multiple %mul3A_320, 64 : i32
        %eq3A_322 = arith.constant 0 : i32
        %eq3A_323 = arith.cmpi eq, %add3A_318, %eq3A_322 : i32
        %convert_element_type3A_324 = arith.extui %eq3A_323 : i1 to i32
        %cond3A_325 = arith.constant 0 : i32
        %cond3A_326 = arith.cmpi ne, %convert_element_type3A_324, %cond3A_325 : i32
        scf.if %cond3A_326 {
          %dma_start3A_340 = arith.constant 0 : i32
          %dma_start3A_341 = arith.constant 0 : i32
          %dma_start3A_342 = tpu.memref_slice %arg7[%dma_start3A_340, %dma_start3A_341] : memref<80x256xf32, #tpu.memory_space<vmem>> -> memref<8x256xf32, #tpu.memory_space<vmem>>
          %dma_start3A_343 = arith.constant 2040 : i32
          %dma_start3A_344 = arith.constant 0 : i32
          %dma_start3A_345 = tpu.memref_slice %arg2[%add3A_317, %dma_start3A_343, %dma_start3A_344] : memref<64x2048x256xf32, #tpu.memory_space<hbm>> -> memref<1x8x256xf32, #tpu.memory_space<hbm>>
          %dma_start3A_346 = tpu.memref_squeeze %dma_start3A_345 : memref<1x8x256xf32, #tpu.memory_space<hbm>> -> memref<8x256xf32, #tpu.memory_space<hbm>>
          %dma_start3A_347 = arith.constant 0 : i32
          %dma_start3A_348 = arith.constant 0 : i32
          %dma_start3A_349 = tpu.memref_slice %arg7[%dma_start3A_347, %dma_start3A_348] : memref<80x256xf32, #tpu.memory_space<vmem>> -> memref<8x256xf32, #tpu.memory_space<vmem>>
          %dma_start3A_350 = arith.constant 2040 : i32
          %dma_start3A_351 = arith.constant 0 : i32
          %dma_start3A_352 = tpu.memref_slice %arg2[%add3A_317, %dma_start3A_350, %dma_start3A_351] : memref<64x2048x256xf32, #tpu.memory_space<hbm>> -> memref<1x8x256xf32, #tpu.memory_space<hbm>>
          %dma_start3A_353 = tpu.memref_squeeze %dma_start3A_352 : memref<1x8x256xf32, #tpu.memory_space<hbm>> -> memref<8x256xf32, #tpu.memory_space<hbm>>
          tpu.enqueue_dma source(%dma_start3A_353 : memref<8x256xf32, #tpu.memory_space<hbm>>) target(%dma_start3A_349 : memref<8x256xf32, #tpu.memory_space<vmem>>) target_semaphore(%arg14 : memref<!tpu.dma_semaphore, #tpu.memory_space<semaphore_mem>>)
          %dma_start3A_354 = arith.constant 8 : i32
          %dma_start3A_355 = arith.constant 0 : i32
          %dma_start3A_356 = tpu.memref_slice %arg7[%dma_start3A_354, %dma_start3A_355] : memref<80x256xf32, #tpu.memory_space<vmem>> -> memref<72x256xf32, #tpu.memory_space<vmem>>
          %dma_start3A_357 = arith.constant 0 : i32
          %dma_start3A_358 = arith.constant 0 : i32
          %dma_start3A_359 = tpu.memref_slice %arg2[%add3A_317, %dma_start3A_357, %dma_start3A_358] : memref<64x2048x256xf32, #tpu.memory_space<hbm>> -> memref<1x72x256xf32, #tpu.memory_space<hbm>>
          %dma_start3A_360 = tpu.memref_squeeze %dma_start3A_359 : memref<1x72x256xf32, #tpu.memory_space<hbm>> -> memref<72x256xf32, #tpu.memory_space<hbm>>
          %dma_start3A_361 = arith.constant 8 : i32
          %dma_start3A_362 = arith.constant 0 : i32
          %dma_start3A_363 = tpu.memref_slice %arg7[%dma_start3A_361, %dma_start3A_362] : memref<80x256xf32, #tpu.memory_space<vmem>> -> memref<72x256xf32, #tpu.memory_space<vmem>>
          %dma_start3A_364 = arith.constant 0 : i32
          %dma_start3A_365 = arith.constant 0 : i32
          %dma_start3A_366 = tpu.memref_slice %arg2[%add3A_317, %dma_start3A_364, %dma_start3A_365] : memref<64x2048x256xf32, #tpu.memory_space<hbm>> -> memref<1x72x256xf32, #tpu.memory_space<hbm>>
          %dma_start3A_367 = tpu.memref_squeeze %dma_start3A_366 : memref<1x72x256xf32, #tpu.memory_space<hbm>> -> memref<72x256xf32, #tpu.memory_space<hbm>>
          tpu.enqueue_dma source(%dma_start3A_367 : memref<72x256xf32, #tpu.memory_space<hbm>>) target(%dma_start3A_363 : memref<72x256xf32, #tpu.memory_space<vmem>>) target_semaphore(%arg14 : memref<!tpu.dma_semaphore, #tpu.memory_space<semaphore_mem>>)
        } else {
        }
        %eq3A_327 = arith.constant 31 : i32
        %eq3A_328 = arith.cmpi eq, %add3A_318, %eq3A_327 : i32
        %convert_element_type3A_329 = arith.extui %eq3A_328 : i1 to i32
        %cond3A_330 = arith.constant 0 : i32
        %cond3A_331 = arith.cmpi ne, %convert_element_type3A_329, %cond3A_330 : i32
        scf.if %cond3A_331 {
          %sub3A_340 = arith.constant 8 : i32
          %sub3A_341 = arith.subi %multiple_of3A_321, %sub3A_340 : i32
          %multiple_of3A_342 = tpu.assume_multiple %sub3A_341, 8 : i32
          %dma_start3A_343 = arith.constant 0 : i32
          %dma_start3A_344 = arith.constant 0 : i32
          %dma_start3A_345 = tpu.memref_slice %arg7[%dma_start3A_343, %dma_start3A_344] : memref<80x256xf32, #tpu.memory_space<vmem>> -> memref<72x256xf32, #tpu.memory_space<vmem>>
          %dma_start3A_346 = arith.constant 0 : i32
          %dma_start3A_347 = tpu.memref_slice %arg2[%add3A_317, %multiple_of3A_342, %dma_start3A_346] : memref<64x2048x256xf32, #tpu.memory_space<hbm>> -> memref<1x72x256xf32, #tpu.memory_space<hbm>>
          %dma_start3A_348 = tpu.memref_squeeze %dma_start3A_347 : memref<1x72x256xf32, #tpu.memory_space<hbm>> -> memref<72x256xf32, #tpu.memory_space<hbm>>
          %dma_start3A_349 = arith.constant 0 : i32
          %dma_start3A_350 = arith.constant 0 : i32
          %dma_start3A_351 = tpu.memref_slice %arg7[%dma_start3A_349, %dma_start3A_350] : memref<80x256xf32, #tpu.memory_space<vmem>> -> memref<72x256xf32, #tpu.memory_space<vmem>>
          %dma_start3A_352 = arith.constant 0 : i32
          %dma_start3A_353 = tpu.memref_slice %arg2[%add3A_317, %multiple_of3A_342, %dma_start3A_352] : memref<64x2048x256xf32, #tpu.memory_space<hbm>> -> memref<1x72x256xf32, #tpu.memory_space<hbm>>
          %dma_start3A_354 = tpu.memref_squeeze %dma_start3A_353 : memref<1x72x256xf32, #tpu.memory_space<hbm>> -> memref<72x256xf32, #tpu.memory_space<hbm>>
          tpu.enqueue_dma source(%dma_start3A_354 : memref<72x256xf32, #tpu.memory_space<hbm>>) target(%dma_start3A_351 : memref<72x256xf32, #tpu.memory_space<vmem>>) target_semaphore(%arg14 : memref<!tpu.dma_semaphore, #tpu.memory_space<semaphore_mem>>)
          %dma_start3A_355 = arith.constant 72 : i32
          %dma_start3A_356 = arith.constant 0 : i32
          %dma_start3A_357 = tpu.memref_slice %arg7[%dma_start3A_355, %dma_start3A_356] : memref<80x256xf32, #tpu.memory_space<vmem>> -> memref<8x256xf32, #tpu.memory_space<vmem>>
          %dma_start3A_358 = arith.constant 0 : i32
          %dma_start3A_359 = arith.constant 0 : i32
          %dma_start3A_360 = tpu.memref_slice %arg2[%add3A_317, %dma_start3A_358, %dma_start3A_359] : memref<64x2048x256xf32, #tpu.memory_space<hbm>> -> memref<1x8x256xf32, #tpu.memory_space<hbm>>
          %dma_start3A_361 = tpu.memref_squeeze %dma_start3A_360 : memref<1x8x256xf32, #tpu.memory_space<hbm>> -> memref<8x256xf32, #tpu.memory_space<hbm>>
          %dma_start3A_362 = arith.constant 72 : i32
          %dma_start3A_363 = arith.constant 0 : i32
          %dma_start3A_364 = tpu.memref_slice %arg7[%dma_start3A_362, %dma_start3A_363] : memref<80x256xf32, #tpu.memory_space<vmem>> -> memref<8x256xf32, #tpu.memory_space<vmem>>
          %dma_start3A_365 = arith.constant 0 : i32
          %dma_start3A_366 = arith.constant 0 : i32
          %dma_start3A_367 = tpu.memref_slice %arg2[%add3A_317, %dma_start3A_365, %dma_start3A_366] : memref<64x2048x256xf32, #tpu.memory_space<hbm>> -> memref<1x8x256xf32, #tpu.memory_space<hbm>>
          %dma_start3A_368 = tpu.memref_squeeze %dma_start3A_367 : memref<1x8x256xf32, #tpu.memory_space<hbm>> -> memref<8x256xf32, #tpu.memory_space<hbm>>
          tpu.enqueue_dma source(%dma_start3A_368 : memref<8x256xf32, #tpu.memory_space<hbm>>) target(%dma_start3A_364 : memref<8x256xf32, #tpu.memory_space<vmem>>) target_semaphore(%arg14 : memref<!tpu.dma_semaphore, #tpu.memory_space<semaphore_mem>>)
        } else {
        }
        %gt3A_332 = arith.constant 0 : i32
        %gt3A_333 = arith.cmpi sgt, %add3A_318, %gt3A_332 : i32
        %lt3A_334 = arith.constant 31 : i32
        %lt3A_335 = arith.cmpi slt, %add3A_318, %lt3A_334 : i32
        %and3A_336 = arith.andi %gt3A_333, %lt3A_335 : i1
        %convert_element_type3A_337 = arith.extui %and3A_336 : i1 to i32
        %cond3A_338 = arith.constant 0 : i32
        %cond3A_339 = arith.cmpi ne, %convert_element_type3A_337, %cond3A_338 : i32
        scf.if %cond3A_339 {
          %sub3A_340 = arith.constant 8 : i32
          %sub3A_341 = arith.subi %multiple_of3A_321, %sub3A_340 : i32
          %multiple_of3A_342 = tpu.assume_multiple %sub3A_341, 8 : i32
          %dma_start3A_343 = arith.constant 0 : i32
          %dma_start3A_344 = tpu.memref_slice %arg2[%add3A_317, %multiple_of3A_342, %dma_start3A_343] : memref<64x2048x256xf32, #tpu.memory_space<hbm>> -> memref<1x80x256xf32, #tpu.memory_space<hbm>>
          %dma_start3A_345 = tpu.memref_squeeze %dma_start3A_344 : memref<1x80x256xf32, #tpu.memory_space<hbm>> -> memref<80x256xf32, #tpu.memory_space<hbm>>
          %dma_start3A_346 = arith.constant 0 : i32
          %dma_start3A_347 = tpu.memref_slice %arg2[%add3A_317, %multiple_of3A_342, %dma_start3A_346] : memref<64x2048x256xf32, #tpu.memory_space<hbm>> -> memref<1x80x256xf32, #tpu.memory_space<hbm>>
          %dma_start3A_348 = tpu.memref_squeeze %dma_start3A_347 : memref<1x80x256xf32, #tpu.memory_space<hbm>> -> memref<80x256xf32, #tpu.memory_space<hbm>>
          tpu.enqueue_dma source(%dma_start3A_348 : memref<80x256xf32, #tpu.memory_space<hbm>>) target(%arg7 : memref<80x256xf32, #tpu.memory_space<vmem>>) target_semaphore(%arg14 : memref<!tpu.dma_semaphore, #tpu.memory_space<semaphore_mem>>)
        } else {
        }
      } else {
      }
      %mul3A_273 = arith.constant 4 : i32
      %mul3A_274 = arith.muli %mul3A_273, %scan3A_151 : i32
      %add3A_275 = arith.constant 3 : i32
      %add3A_276 = arith.addi %mul3A_274, %add3A_275 : i32
      %dma_wait3A_277 = arith.constant 0 : i32
      %dma_wait3A_278 = arith.constant 0 : i32
      %dma_wait3A_279 = arith.constant 0 : i32
      %dma_wait3A_280 = tpu.memref_slice %arg2[%dma_wait3A_277, %dma_wait3A_278, %dma_wait3A_279] : memref<64x2048x256xf32, #tpu.memory_space<hbm>> -> memref<1x80x256xf32, #tpu.memory_space<hbm>>
      %dma_wait3A_281 = tpu.memref_squeeze %dma_wait3A_280 : memref<1x80x256xf32, #tpu.memory_space<hbm>> -> memref<80x256xf32, #tpu.memory_space<hbm>>
      %dma_wait3A_282 = arith.constant 0 : i32
      %dma_wait3A_283 = arith.constant 0 : i32
      %dma_wait3A_284 = tpu.memref_slice %arg2[%dma_wait3A_277, %dma_wait3A_282, %dma_wait3A_283] : memref<64x2048x256xf32, #tpu.memory_space<hbm>> -> memref<1x80x256xf32, #tpu.memory_space<hbm>>
      %dma_wait3A_285 = tpu.memref_squeeze %dma_wait3A_284 : memref<1x80x256xf32, #tpu.memory_space<hbm>> -> memref<80x256xf32, #tpu.memory_space<hbm>>
      tpu.wait_dma2 semaphore(%arg15 : memref<!tpu.dma_semaphore, #tpu.memory_space<semaphore_mem>>) src(%dma_wait3A_285 : memref<80x256xf32, #tpu.memory_space<hbm>>) dst(%arg8 : memref<80x256xf32, #tpu.memory_space<vmem>>)
      %ge3A_286 = arith.constant 2 : i32
      %ge3A_287 = arith.cmpi sge, %add3A_276, %ge3A_286 : i32
      %convert_element_type3A_288 = arith.extui %ge3A_287 : i1 to i32
      %cond3A_289 = arith.constant 0 : i32
      %cond3A_290 = arith.cmpi ne, %convert_element_type3A_288, %cond3A_289 : i32
      scf.if %cond3A_290 {
        %dma_wait3A_314 = arith.constant 0 : i32
        %dma_wait3A_315 = arith.constant 0 : i32
        %dma_wait3A_316 = arith.constant 0 : i32
        %dma_wait3A_317 = tpu.memref_slice %arg4[%dma_wait3A_314, %dma_wait3A_315, %dma_wait3A_316] : memref<16x2048x256xf32, #tpu.memory_space<hbm>> -> memref<1x64x256xf32, #tpu.memory_space<hbm>>
        %dma_wait3A_318 = tpu.memref_squeeze %dma_wait3A_317 : memref<1x64x256xf32, #tpu.memory_space<hbm>> -> memref<64x256xf32, #tpu.memory_space<hbm>>
        %dma_wait3A_319 = arith.constant 0 : i32
        %dma_wait3A_320 = arith.constant 0 : i32
        %dma_wait3A_321 = tpu.memref_slice %arg4[%dma_wait3A_314, %dma_wait3A_319, %dma_wait3A_320] : memref<16x2048x256xf32, #tpu.memory_space<hbm>> -> memref<1x64x256xf32, #tpu.memory_space<hbm>>
        %dma_wait3A_322 = tpu.memref_squeeze %dma_wait3A_321 : memref<1x64x256xf32, #tpu.memory_space<hbm>> -> memref<64x256xf32, #tpu.memory_space<hbm>>
        tpu.wait_dma2 semaphore(%arg17 : memref<!tpu.dma_semaphore, #tpu.memory_space<semaphore_mem>>) src(%arg10 : memref<64x256xf32, #tpu.memory_space<vmem>>) dst(%dma_wait3A_322 : memref<64x256xf32, #tpu.memory_space<hbm>>)
      } else {
      }
      %scan3A_291 = arith.constant 0 : i32
      %scan3A_292 = arith.constant 0 : i32
      %scan3A_293 = arith.constant 16 : i32
      %scan3A_294 = arith.addi %scan3A_292, %scan3A_293 : i32
      %scan3A_295 = arith.constant 1 : i32
      scf.for %scan3A_314 = %scan3A_292 to %scan3A_294 step %scan3A_295  : i32 {
        %mul3A_315 = arith.constant 16 : i32
        %mul3A_316 = arith.muli %scan3A_314, %mul3A_315 : i32
        %get3A = arith.index_cast %select_n3A : i32 to index
        %get3A_317 = arith.index_cast %mul3A_316 : i32 to index
        %get3A_318 = tpu.vector_load %arg11[%get3A, %get3A_317] {strides = array<i32>} : memref<16x256xi32, #tpu.memory_space<vmem>>, vector<16xi32>,
        %sub3A_319 = arith.constant 8 : i32
        %sub3A_320 = vector.broadcast %sub3A_319 : i32 to vector<16xi32>
        %sub3A_321 = arith.subi %sub3A_320, %get3A_318 : vector<16xi32>
        %iota3A = tpu.iota {dimensions = array<i32: 0>} : vector<16xi32>
        %add3A_322 = vector.broadcast %mul3A_316 : i32 to vector<16xi32>
        %add3A_323 = arith.addi %iota3A, %add3A_322 : vector<16xi32>
        %parallel_loop3A = arith.constant 0 : i32
        %parallel_loop3A_324 = arith.constant 64 : i32
        %parallel_loop3A_325 = arith.constant 1 : i32
        scf.for %parallel_loop3A_326 = %parallel_loop3A to %parallel_loop3A_324 step %parallel_loop3A_325  : i32 {
          %parallel_loop3A_327 = vector.broadcast %parallel_loop3A_326 : i32 to vector<16xi32>
          %parallel_loop3A_328 = arith.addi %sub3A_321, %parallel_loop3A_327 : vector<16xi32>
          %parallel_loop3A_329 = tpu.vector_load_idx %arg8[%parallel_loop3A_328, %add3A_323] : memref<80x256xf32, #tpu.memory_space<vmem>>[vector<16xi32>, vector<16xi32>], vector<16xf32>,
          %parallel_loop3A_330 = arith.index_cast %parallel_loop3A_326 : i32 to index
          %parallel_loop3A_331 = arith.index_cast %mul3A_316 : i32 to index
          %parallel_loop3A_332 = tpu.vector_load %arg10[%parallel_loop3A_330, %parallel_loop3A_331] {strides = array<i32>} : memref<64x256xf32, #tpu.memory_space<vmem>>, vector<16xf32>,
          tpu.vector_store %arg10[%parallel_loop3A_330, %parallel_loop3A_331], %parallel_loop3A_329 {strides = array<i32>} : memref<64x256xf32, #tpu.memory_space<vmem>>, vector<16xf32>,
        } {sc.loop_unroll_factor = 8 : i64, sc.parallel_access}
      }
      %scan3A_296 = arith.constant 16 : i32
      %add3A_297 = arith.addi %mul3A_32, %add3A_276 : i32
      %mul3A_298 = arith.constant 64 : i32
      %mul3A_299 = arith.muli %add3A_297, %mul3A_298 : i32
      %multiple_of3A_300 = tpu.assume_multiple %mul3A_299, 64 : i32
      %dma_start3A_301 = arith.constant 0 : i32
      %dma_start3A_302 = tpu.memref_slice %arg4[%select_n3A, %multiple_of3A_300, %dma_start3A_301] : memref<16x2048x256xf32, #tpu.memory_space<hbm>> -> memref<1x64x256xf32, #tpu.memory_space<hbm>>
      %dma_start3A_303 = tpu.memref_squeeze %dma_start3A_302 : memref<1x64x256xf32, #tpu.memory_space<hbm>> -> memref<64x256xf32, #tpu.memory_space<hbm>>
      %dma_start3A_304 = arith.constant 0 : i32
      %dma_start3A_305 = tpu.memref_slice %arg4[%select_n3A, %multiple_of3A_300, %dma_start3A_304] : memref<16x2048x256xf32, #tpu.memory_space<hbm>> -> memref<1x64x256xf32, #tpu.memory_space<hbm>>
      %dma_start3A_306 = tpu.memref_squeeze %dma_start3A_305 : memref<1x64x256xf32, #tpu.memory_space<hbm>> -> memref<64x256xf32, #tpu.memory_space<hbm>>
      tpu.enqueue_dma source(%arg10 : memref<64x256xf32, #tpu.memory_space<vmem>>) target(%dma_start3A_306 : memref<64x256xf32, #tpu.memory_space<hbm>>) target_semaphore(%arg17 : memref<!tpu.dma_semaphore, #tpu.memory_space<semaphore_mem>>)
      %add3A_307 = arith.constant 4 : i32
      %add3A_308 = arith.addi %add3A_276, %add3A_307 : i32
      %lt3A_309 = arith.constant 16 : i32
      %lt3A_310 = arith.cmpi slt, %add3A_308, %lt3A_309 : i32
      %convert_element_type3A_311 = arith.extui %lt3A_310 : i1 to i32
      %cond3A_312 = arith.constant 0 : i32
      %cond3A_313 = arith.cmpi ne, %convert_element_type3A_311, %cond3A_312 : i32
      scf.if %cond3A_313 {
        %add3A_314 = arith.constant 4 : i32
        %add3A_315 = arith.addi %add3A_276, %add3A_314 : i32
        %add3A_316 = arith.constant 48 : i32
        %add3A_317 = arith.addi %add3A_316, %select_n3A : i32
        %add3A_318 = arith.addi %mul3A_32, %add3A_315 : i32
        %mul3A_319 = arith.constant 64 : i32
        %mul3A_320 = arith.muli %add3A_318, %mul3A_319 : i32
        %multiple_of3A_321 = tpu.assume_multiple %mul3A_320, 64 : i32
        %eq3A_322 = arith.constant 0 : i32
        %eq3A_323 = arith.cmpi eq, %add3A_318, %eq3A_322 : i32
        %convert_element_type3A_324 = arith.extui %eq3A_323 : i1 to i32
        %cond3A_325 = arith.constant 0 : i32
        %cond3A_326 = arith.cmpi ne, %convert_element_type3A_324, %cond3A_325 : i32
        scf.if %cond3A_326 {
          %dma_start3A_340 = arith.constant 0 : i32
          %dma_start3A_341 = arith.constant 0 : i32
          %dma_start3A_342 = tpu.memref_slice %arg8[%dma_start3A_340, %dma_start3A_341] : memref<80x256xf32, #tpu.memory_space<vmem>> -> memref<8x256xf32, #tpu.memory_space<vmem>>
          %dma_start3A_343 = arith.constant 2040 : i32
          %dma_start3A_344 = arith.constant 0 : i32
          %dma_start3A_345 = tpu.memref_slice %arg2[%add3A_317, %dma_start3A_343, %dma_start3A_344] : memref<64x2048x256xf32, #tpu.memory_space<hbm>> -> memref<1x8x256xf32, #tpu.memory_space<hbm>>
          %dma_start3A_346 = tpu.memref_squeeze %dma_start3A_345 : memref<1x8x256xf32, #tpu.memory_space<hbm>> -> memref<8x256xf32, #tpu.memory_space<hbm>>
          %dma_start3A_347 = arith.constant 0 : i32
          %dma_start3A_348 = arith.constant 0 : i32
          %dma_start3A_349 = tpu.memref_slice %arg8[%dma_start3A_347, %dma_start3A_348] : memref<80x256xf32, #tpu.memory_space<vmem>> -> memref<8x256xf32, #tpu.memory_space<vmem>>
          %dma_start3A_350 = arith.constant 2040 : i32
          %dma_start3A_351 = arith.constant 0 : i32
          %dma_start3A_352 = tpu.memref_slice %arg2[%add3A_317, %dma_start3A_350, %dma_start3A_351] : memref<64x2048x256xf32, #tpu.memory_space<hbm>> -> memref<1x8x256xf32, #tpu.memory_space<hbm>>
          %dma_start3A_353 = tpu.memref_squeeze %dma_start3A_352 : memref<1x8x256xf32, #tpu.memory_space<hbm>> -> memref<8x256xf32, #tpu.memory_space<hbm>>
          tpu.enqueue_dma source(%dma_start3A_353 : memref<8x256xf32, #tpu.memory_space<hbm>>) target(%dma_start3A_349 : memref<8x256xf32, #tpu.memory_space<vmem>>) target_semaphore(%arg15 : memref<!tpu.dma_semaphore, #tpu.memory_space<semaphore_mem>>)
          %dma_start3A_354 = arith.constant 8 : i32
          %dma_start3A_355 = arith.constant 0 : i32
          %dma_start3A_356 = tpu.memref_slice %arg8[%dma_start3A_354, %dma_start3A_355] : memref<80x256xf32, #tpu.memory_space<vmem>> -> memref<72x256xf32, #tpu.memory_space<vmem>>
          %dma_start3A_357 = arith.constant 0 : i32
          %dma_start3A_358 = arith.constant 0 : i32
          %dma_start3A_359 = tpu.memref_slice %arg2[%add3A_317, %dma_start3A_357, %dma_start3A_358] : memref<64x2048x256xf32, #tpu.memory_space<hbm>> -> memref<1x72x256xf32, #tpu.memory_space<hbm>>
          %dma_start3A_360 = tpu.memref_squeeze %dma_start3A_359 : memref<1x72x256xf32, #tpu.memory_space<hbm>> -> memref<72x256xf32, #tpu.memory_space<hbm>>
          %dma_start3A_361 = arith.constant 8 : i32
          %dma_start3A_362 = arith.constant 0 : i32
          %dma_start3A_363 = tpu.memref_slice %arg8[%dma_start3A_361, %dma_start3A_362] : memref<80x256xf32, #tpu.memory_space<vmem>> -> memref<72x256xf32, #tpu.memory_space<vmem>>
          %dma_start3A_364 = arith.constant 0 : i32
          %dma_start3A_365 = arith.constant 0 : i32
          %dma_start3A_366 = tpu.memref_slice %arg2[%add3A_317, %dma_start3A_364, %dma_start3A_365] : memref<64x2048x256xf32, #tpu.memory_space<hbm>> -> memref<1x72x256xf32, #tpu.memory_space<hbm>>
          %dma_start3A_367 = tpu.memref_squeeze %dma_start3A_366 : memref<1x72x256xf32, #tpu.memory_space<hbm>> -> memref<72x256xf32, #tpu.memory_space<hbm>>
          tpu.enqueue_dma source(%dma_start3A_367 : memref<72x256xf32, #tpu.memory_space<hbm>>) target(%dma_start3A_363 : memref<72x256xf32, #tpu.memory_space<vmem>>) target_semaphore(%arg15 : memref<!tpu.dma_semaphore, #tpu.memory_space<semaphore_mem>>)
        } else {
        }
        %eq3A_327 = arith.constant 31 : i32
        %eq3A_328 = arith.cmpi eq, %add3A_318, %eq3A_327 : i32
        %convert_element_type3A_329 = arith.extui %eq3A_328 : i1 to i32
        %cond3A_330 = arith.constant 0 : i32
        %cond3A_331 = arith.cmpi ne, %convert_element_type3A_329, %cond3A_330 : i32
        scf.if %cond3A_331 {
          %sub3A_340 = arith.constant 8 : i32
          %sub3A_341 = arith.subi %multiple_of3A_321, %sub3A_340 : i32
          %multiple_of3A_342 = tpu.assume_multiple %sub3A_341, 8 : i32
          %dma_start3A_343 = arith.constant 0 : i32
          %dma_start3A_344 = arith.constant 0 : i32
          %dma_start3A_345 = tpu.memref_slice %arg8[%dma_start3A_343, %dma_start3A_344] : memref<80x256xf32, #tpu.memory_space<vmem>> -> memref<72x256xf32, #tpu.memory_space<vmem>>
          %dma_start3A_346 = arith.constant 0 : i32
          %dma_start3A_347 = tpu.memref_slice %arg2[%add3A_317, %multiple_of3A_342, %dma_start3A_346] : memref<64x2048x256xf32, #tpu.memory_space<hbm>> -> memref<1x72x256xf32, #tpu.memory_space<hbm>>
          %dma_start3A_348 = tpu.memref_squeeze %dma_start3A_347 : memref<1x72x256xf32, #tpu.memory_space<hbm>> -> memref<72x256xf32, #tpu.memory_space<hbm>>
          %dma_start3A_349 = arith.constant 0 : i32
          %dma_start3A_350 = arith.constant 0 : i32
          %dma_start3A_351 = tpu.memref_slice %arg8[%dma_start3A_349, %dma_start3A_350] : memref<80x256xf32, #tpu.memory_space<vmem>> -> memref<72x256xf32, #tpu.memory_space<vmem>>
          %dma_start3A_352 = arith.constant 0 : i32
          %dma_start3A_353 = tpu.memref_slice %arg2[%add3A_317, %multiple_of3A_342, %dma_start3A_352] : memref<64x2048x256xf32, #tpu.memory_space<hbm>> -> memref<1x72x256xf32, #tpu.memory_space<hbm>>
          %dma_start3A_354 = tpu.memref_squeeze %dma_start3A_353 : memref<1x72x256xf32, #tpu.memory_space<hbm>> -> memref<72x256xf32, #tpu.memory_space<hbm>>
          tpu.enqueue_dma source(%dma_start3A_354 : memref<72x256xf32, #tpu.memory_space<hbm>>) target(%dma_start3A_351 : memref<72x256xf32, #tpu.memory_space<vmem>>) target_semaphore(%arg15 : memref<!tpu.dma_semaphore, #tpu.memory_space<semaphore_mem>>)
          %dma_start3A_355 = arith.constant 72 : i32
          %dma_start3A_356 = arith.constant 0 : i32
          %dma_start3A_357 = tpu.memref_slice %arg8[%dma_start3A_355, %dma_start3A_356] : memref<80x256xf32, #tpu.memory_space<vmem>> -> memref<8x256xf32, #tpu.memory_space<vmem>>
          %dma_start3A_358 = arith.constant 0 : i32
          %dma_start3A_359 = arith.constant 0 : i32
          %dma_start3A_360 = tpu.memref_slice %arg2[%add3A_317, %dma_start3A_358, %dma_start3A_359] : memref<64x2048x256xf32, #tpu.memory_space<hbm>> -> memref<1x8x256xf32, #tpu.memory_space<hbm>>
          %dma_start3A_361 = tpu.memref_squeeze %dma_start3A_360 : memref<1x8x256xf32, #tpu.memory_space<hbm>> -> memref<8x256xf32, #tpu.memory_space<hbm>>
          %dma_start3A_362 = arith.constant 72 : i32
          %dma_start3A_363 = arith.constant 0 : i32
          %dma_start3A_364 = tpu.memref_slice %arg8[%dma_start3A_362, %dma_start3A_363] : memref<80x256xf32, #tpu.memory_space<vmem>> -> memref<8x256xf32, #tpu.memory_space<vmem>>
          %dma_start3A_365 = arith.constant 0 : i32
          %dma_start3A_366 = arith.constant 0 : i32
          %dma_start3A_367 = tpu.memref_slice %arg2[%add3A_317, %dma_start3A_365, %dma_start3A_366] : memref<64x2048x256xf32, #tpu.memory_space<hbm>> -> memref<1x8x256xf32, #tpu.memory_space<hbm>>
          %dma_start3A_368 = tpu.memref_squeeze %dma_start3A_367 : memref<1x8x256xf32, #tpu.memory_space<hbm>> -> memref<8x256xf32, #tpu.memory_space<hbm>>
          tpu.enqueue_dma source(%dma_start3A_368 : memref<8x256xf32, #tpu.memory_space<hbm>>) target(%dma_start3A_364 : memref<8x256xf32, #tpu.memory_space<vmem>>) target_semaphore(%arg15 : memref<!tpu.dma_semaphore, #tpu.memory_space<semaphore_mem>>)
        } else {
        }
        %gt3A_332 = arith.constant 0 : i32
        %gt3A_333 = arith.cmpi sgt, %add3A_318, %gt3A_332 : i32
        %lt3A_334 = arith.constant 31 : i32
        %lt3A_335 = arith.cmpi slt, %add3A_318, %lt3A_334 : i32
        %and3A_336 = arith.andi %gt3A_333, %lt3A_335 : i1
        %convert_element_type3A_337 = arith.extui %and3A_336 : i1 to i32
        %cond3A_338 = arith.constant 0 : i32
        %cond3A_339 = arith.cmpi ne, %convert_element_type3A_337, %cond3A_338 : i32
        scf.if %cond3A_339 {
          %sub3A_340 = arith.constant 8 : i32
          %sub3A_341 = arith.subi %multiple_of3A_321, %sub3A_340 : i32
          %multiple_of3A_342 = tpu.assume_multiple %sub3A_341, 8 : i32
          %dma_start3A_343 = arith.constant 0 : i32
          %dma_start3A_344 = tpu.memref_slice %arg2[%add3A_317, %multiple_of3A_342, %dma_start3A_343] : memref<64x2048x256xf32, #tpu.memory_space<hbm>> -> memref<1x80x256xf32, #tpu.memory_space<hbm>>
          %dma_start3A_345 = tpu.memref_squeeze %dma_start3A_344 : memref<1x80x256xf32, #tpu.memory_space<hbm>> -> memref<80x256xf32, #tpu.memory_space<hbm>>
          %dma_start3A_346 = arith.constant 0 : i32
          %dma_start3A_347 = tpu.memref_slice %arg2[%add3A_317, %multiple_of3A_342, %dma_start3A_346] : memref<64x2048x256xf32, #tpu.memory_space<hbm>> -> memref<1x80x256xf32, #tpu.memory_space<hbm>>
          %dma_start3A_348 = tpu.memref_squeeze %dma_start3A_347 : memref<1x80x256xf32, #tpu.memory_space<hbm>> -> memref<80x256xf32, #tpu.memory_space<hbm>>
          tpu.enqueue_dma source(%dma_start3A_348 : memref<80x256xf32, #tpu.memory_space<hbm>>) target(%arg8 : memref<80x256xf32, #tpu.memory_space<vmem>>) target_semaphore(%arg15 : memref<!tpu.dma_semaphore, #tpu.memory_space<semaphore_mem>>)
        } else {
        }
      } else {
      }
    }
    %scan3A_133 = arith.constant 4 : i32
    %dma_wait3A = arith.constant 0 : i32
    %dma_wait3A_134 = arith.constant 0 : i32
    %dma_wait3A_135 = arith.constant 0 : i32
    %dma_wait3A_136 = tpu.memref_slice %arg4[%dma_wait3A, %dma_wait3A_134, %dma_wait3A_135] : memref<16x2048x256xf32, #tpu.memory_space<hbm>> -> memref<1x64x256xf32, #tpu.memory_space<hbm>>
    %dma_wait3A_137 = tpu.memref_squeeze %dma_wait3A_136 : memref<1x64x256xf32, #tpu.memory_space<hbm>> -> memref<64x256xf32, #tpu.memory_space<hbm>>
    %dma_wait3A_138 = arith.constant 0 : i32
    %dma_wait3A_139 = arith.constant 0 : i32
    %dma_wait3A_140 = tpu.memref_slice %arg4[%dma_wait3A, %dma_wait3A_138, %dma_wait3A_139] : memref<16x2048x256xf32, #tpu.memory_space<hbm>> -> memref<1x64x256xf32, #tpu.memory_space<hbm>>
    %dma_wait3A_141 = tpu.memref_squeeze %dma_wait3A_140 : memref<1x64x256xf32, #tpu.memory_space<hbm>> -> memref<64x256xf32, #tpu.memory_space<hbm>>
    tpu.wait_dma2 semaphore(%arg16 : memref<!tpu.dma_semaphore, #tpu.memory_space<semaphore_mem>>) src(%arg9 : memref<64x256xf32, #tpu.memory_space<vmem>>) dst(%dma_wait3A_141 : memref<64x256xf32, #tpu.memory_space<hbm>>)
    %dma_wait3A_142 = arith.constant 0 : i32
    %dma_wait3A_143 = arith.constant 0 : i32
    %dma_wait3A_144 = arith.constant 0 : i32
    %dma_wait3A_145 = tpu.memref_slice %arg4[%dma_wait3A_142, %dma_wait3A_143, %dma_wait3A_144] : memref<16x2048x256xf32, #tpu.memory_space<hbm>> -> memref<1x64x256xf32, #tpu.memory_space<hbm>>
    %dma_wait3A_146 = tpu.memref_squeeze %dma_wait3A_145 : memref<1x64x256xf32, #tpu.memory_space<hbm>> -> memref<64x256xf32, #tpu.memory_space<hbm>>
    %dma_wait3A_147 = arith.constant 0 : i32
    %dma_wait3A_148 = arith.constant 0 : i32
    %dma_wait3A_149 = tpu.memref_slice %arg4[%dma_wait3A_142, %dma_wait3A_147, %dma_wait3A_148] : memref<16x2048x256xf32, #tpu.memory_space<hbm>> -> memref<1x64x256xf32, #tpu.memory_space<hbm>>
    %dma_wait3A_150 = tpu.memref_squeeze %dma_wait3A_149 : memref<1x64x256xf32, #tpu.memory_space<hbm>> -> memref<64x256xf32, #tpu.memory_space<hbm>>
    tpu.wait_dma2 semaphore(%arg17 : memref<!tpu.dma_semaphore, #tpu.memory_space<semaphore_mem>>) src(%arg10 : memref<64x256xf32, #tpu.memory_space<vmem>>) dst(%dma_wait3A_150 : memref<64x256xf32, #tpu.memory_space<hbm>>)
    return
  }
}

module attributes {stable_mosaic.version = 14 : i64} {
  func.func @_tc_body(%arg0: i32, %arg1: memref<1x1x256xi32, #tpu.memory_space<vmem>>, %arg2: memref<1x2048x256xf32, #tpu.memory_space<vmem>>, %arg3: memref<1x2048x256xf32, #tpu.memory_space<vmem>>) attributes {dimension_semantics = [#tpu.dimension_semantics<arbitrary>], iteration_bounds = array<i64: 48>, scalar_prefetch = 0 : i64, scratch_operands = 0 : i64, tpu.core_type = #tpu.core_type<tc>, window_params = [{transform_indices = @transform_0, window_bounds = array<i64: 1, 1, 256>}, {transform_indices = @transform_1, window_bounds = array<i64: 1, 2048, 256>}, {transform_indices = @transform_2, window_bounds = array<i64: 1, 2048, 256>}]} {
    %get3A = arith.constant 0 : index
    %get3A_0 = arith.constant 0 : index
    %get3A_1 = arith.constant 0 : index
    %get3A_2 = vector.load %arg2[%get3A, %get3A_0, %get3A_1] : memref<1x2048x256xf32, #tpu.memory_space<vmem>>, vector<1x2048x256xf32>
    %get3A_3 = vector.shape_cast %get3A_2 : vector<1x2048x256xf32> to vector<2048x256xf32>
    %get3A_4 = arith.constant 0 : index
    %get3A_5 = arith.constant 0 : index
    %get3A_6 = arith.constant 0 : index
    %get3A_7 = vector.load %arg1[%get3A_4, %get3A_5, %get3A_6] : memref<1x1x256xi32, #tpu.memory_space<vmem>>, vector<1x1x256xi32>
    %get3A_8 = vector.shape_cast %get3A_7 : vector<1x1x256xi32> to vector<1x256xi32>
    %add3A = arith.constant 6 : i32
    %add3A_9 = vector.broadcast %add3A : i32 to vector<1x256xi32>
    %add3A_10 = arith.addi %get3A_8, %add3A_9 : vector<1x256xi32>
    %slice3A = vector.extract_strided_slice %get3A_3 {offsets = [6, 0], sizes = [2042, 256], strides = [1, 1]} : vector<2048x256xf32> to vector<2042x256xf32>
    %slice3A_11 = vector.extract_strided_slice %get3A_3 {offsets = [0, 0], sizes = [6, 256], strides = [1, 1]} : vector<2048x256xf32> to vector<6x256xf32>
    %concatenate3A = tpu.concatenate %slice3A, %slice3A_11 in 0 : vector<2042x256xf32>, vector<6x256xf32> -> vector<2048x256xf32>
    %and3A = arith.constant 1 : i32
    %and3A_12 = vector.broadcast %and3A : i32 to vector<1x256xi32>
    %and3A_13 = arith.andi %add3A_10, %and3A_12 : vector<1x256xi32>
    %ne3A = arith.constant 0 : i32
    %ne3A_14 = vector.broadcast %ne3A : i32 to vector<1x256xi32>
    %ne3A_15 = arith.cmpi ne, %and3A_13, %ne3A_14 : vector<1x256xi32>
    %slice3A_16 = vector.extract_strided_slice %concatenate3A {offsets = [2047, 0], sizes = [1, 256], strides = [1, 1]} : vector<2048x256xf32> to vector<1x256xf32>
    %slice3A_17 = vector.extract_strided_slice %concatenate3A {offsets = [0, 0], sizes = [2047, 256], strides = [1, 1]} : vector<2048x256xf32> to vector<2047x256xf32>
    %concatenate3A_18 = tpu.concatenate %slice3A_16, %slice3A_17 in 0 : vector<1x256xf32>, vector<2047x256xf32> -> vector<2048x256xf32>
    %broadcast_in_dim3A = vector.shape_cast %ne3A_15 : vector<1x256xi1> to vector<1x256xi1>
    %broadcast_in_dim3A_19 = vector.broadcast %broadcast_in_dim3A : vector<1x256xi1> to vector<2048x256xi1>
    %select_n3A = arith.select %broadcast_in_dim3A_19, %concatenate3A_18, %concatenate3A : vector<2048x256xi1>, vector<2048x256xf32>
    %and3A_20 = arith.constant 2 : i32
    %and3A_21 = vector.broadcast %and3A_20 : i32 to vector<1x256xi32>
    %and3A_22 = arith.andi %add3A_10, %and3A_21 : vector<1x256xi32>
    %ne3A_23 = arith.constant 0 : i32
    %ne3A_24 = vector.broadcast %ne3A_23 : i32 to vector<1x256xi32>
    %ne3A_25 = arith.cmpi ne, %and3A_22, %ne3A_24 : vector<1x256xi32>
    %slice3A_26 = vector.extract_strided_slice %select_n3A {offsets = [2046, 0], sizes = [2, 256], strides = [1, 1]} : vector<2048x256xf32> to vector<2x256xf32>
    %slice3A_27 = vector.extract_strided_slice %select_n3A {offsets = [0, 0], sizes = [2046, 256], strides = [1, 1]} : vector<2048x256xf32> to vector<2046x256xf32>
    %concatenate3A_28 = tpu.concatenate %slice3A_26, %slice3A_27 in 0 : vector<2x256xf32>, vector<2046x256xf32> -> vector<2048x256xf32>
    %broadcast_in_dim3A_29 = vector.shape_cast %ne3A_25 : vector<1x256xi1> to vector<1x256xi1>
    %broadcast_in_dim3A_30 = vector.broadcast %broadcast_in_dim3A_29 : vector<1x256xi1> to vector<2048x256xi1>
    %select_n3A_31 = arith.select %broadcast_in_dim3A_30, %concatenate3A_28, %select_n3A : vector<2048x256xi1>, vector<2048x256xf32>
    %and3A_32 = arith.constant 4 : i32
    %and3A_33 = vector.broadcast %and3A_32 : i32 to vector<1x256xi32>
    %and3A_34 = arith.andi %add3A_10, %and3A_33 : vector<1x256xi32>
    %ne3A_35 = arith.constant 0 : i32
    %ne3A_36 = vector.broadcast %ne3A_35 : i32 to vector<1x256xi32>
    %ne3A_37 = arith.cmpi ne, %and3A_34, %ne3A_36 : vector<1x256xi32>
    %slice3A_38 = vector.extract_strided_slice %select_n3A_31 {offsets = [2044, 0], sizes = [4, 256], strides = [1, 1]} : vector<2048x256xf32> to vector<4x256xf32>
    %slice3A_39 = vector.extract_strided_slice %select_n3A_31 {offsets = [0, 0], sizes = [2044, 256], strides = [1, 1]} : vector<2048x256xf32> to vector<2044x256xf32>
    %concatenate3A_40 = tpu.concatenate %slice3A_38, %slice3A_39 in 0 : vector<4x256xf32>, vector<2044x256xf32> -> vector<2048x256xf32>
    %broadcast_in_dim3A_41 = vector.shape_cast %ne3A_37 : vector<1x256xi1> to vector<1x256xi1>
    %broadcast_in_dim3A_42 = vector.broadcast %broadcast_in_dim3A_41 : vector<1x256xi1> to vector<2048x256xi1>
    %select_n3A_43 = arith.select %broadcast_in_dim3A_42, %concatenate3A_40, %select_n3A_31 : vector<2048x256xi1>, vector<2048x256xf32>
    %and3A_44 = arith.constant 8 : i32
    %and3A_45 = vector.broadcast %and3A_44 : i32 to vector<1x256xi32>
    %and3A_46 = arith.andi %add3A_10, %and3A_45 : vector<1x256xi32>
    %ne3A_47 = arith.constant 0 : i32
    %ne3A_48 = vector.broadcast %ne3A_47 : i32 to vector<1x256xi32>
    %ne3A_49 = arith.cmpi ne, %and3A_46, %ne3A_48 : vector<1x256xi32>
    %slice3A_50 = vector.extract_strided_slice %select_n3A_43 {offsets = [2040, 0], sizes = [8, 256], strides = [1, 1]} : vector<2048x256xf32> to vector<8x256xf32>
    %slice3A_51 = vector.extract_strided_slice %select_n3A_43 {offsets = [0, 0], sizes = [2040, 256], strides = [1, 1]} : vector<2048x256xf32> to vector<2040x256xf32>
    %concatenate3A_52 = tpu.concatenate %slice3A_50, %slice3A_51 in 0 : vector<8x256xf32>, vector<2040x256xf32> -> vector<2048x256xf32>
    %broadcast_in_dim3A_53 = vector.shape_cast %ne3A_49 : vector<1x256xi1> to vector<1x256xi1>
    %broadcast_in_dim3A_54 = vector.broadcast %broadcast_in_dim3A_53 : vector<1x256xi1> to vector<2048x256xi1>
    %select_n3A_55 = arith.select %broadcast_in_dim3A_54, %concatenate3A_52, %select_n3A_43 : vector<2048x256xi1>, vector<2048x256xf32>
    %swap3A = arith.constant 0 : index
    %swap3A_56 = arith.constant 0 : index
    %swap3A_57 = arith.constant 0 : index
    %swap3A_58 = vector.load %arg3[%swap3A, %swap3A_56, %swap3A_57] : memref<1x2048x256xf32, #tpu.memory_space<vmem>>, vector<1x2048x256xf32>
    %swap3A_59 = vector.shape_cast %swap3A_58 : vector<1x2048x256xf32> to vector<2048x256xf32>
    %swap3A_60 = vector.shape_cast %select_n3A_55 : vector<2048x256xf32> to vector<1x2048x256xf32>
    tpu.vector_store %arg3[%swap3A, %swap3A_56, %swap3A_57], %swap3A_60 {strides = array<i32>} : memref<1x2048x256xf32, #tpu.memory_space<vmem>>, vector<1x2048x256xf32>,
    return
  }
  func.func @transform_0(%arg0: i32) -> (i32, i32, i32) {
    %c0_i32 = arith.constant 0 : i32
    %c0_i32_0 = arith.constant 0 : i32
    %c0_i32_1 = arith.constant 0 : i32
    return %arg0, %c0_i32, %c0_i32_0 : i32, i32, i32
  }
  func.func @transform_1(%arg0: i32) -> (i32, i32, i32) {
    %c0_i32 = arith.constant 0 : i32
    %c0_i32_0 = arith.constant 0 : i32
    %c0_i32_1 = arith.constant 0 : i32
    return %arg0, %c0_i32, %c0_i32_0 : i32, i32, i32
  }
  func.func @transform_2(%arg0: i32) -> (i32, i32, i32) {
    %c0_i32 = arith.constant 0 : i32
    %c0_i32_0 = arith.constant 0 : i32
    %c0_i32_1 = arith.constant 0 : i32
    return %arg0, %c0_i32, %c0_i32_0 : i32, i32, i32
  }
}

</mosaic_0001>

<sc_bundles>
// kernel: kernel.4.cloned.1.call-start
scs
__scs_entry_jumppad:
0x0: {  	(pc) =	sbr.rel $0x88, $3  }
0x1: {  	(tag) =	ssettag $0x0;
	lr =	simm.s32 $0x1  }
0x2: {  	[smem:$0x3FA0] =	sst lr;
	_ =	strace $0xD0000000  }
0x3: {  	_ = 	snop  }
0x4: {  	_ = 	snop  }
0x5: {  	_ = 	snop  }
0x6: {  	_ = 	snop  }
0x7: {  	_ = 	snop  }
__scs_overlays_trampoline_lowered:
0x8: {  	[smem:$0x3FAF] =	sst s0  }
0x9: {  	[smem:$0x3FB0] =	sst s1  }
0xa: {  	[smem:$0x3FB1] =	sst s2  }
0xb: {  	[smem:$0x3FB2] =	sst s3  }
0xc: {  	[smem:$0x3FB3] =	sst s4  }
0xd: {  	[smem:$0x3FB4] =	sst s5  }
0xe: {  	[smem:$0x3FB5] =	sst s6  }
0xf: {  	[smem:$0x3FB6] =	sst s7  }
0x10: {  	[smem:$0x3FB7] =	sst s8  }
0x11: {  	[smem:$0x3FB8] =	sst s9;
	s0 =	simm.s32 @!p0 $0x0  }
0x12: {  	s1 =	sld [smem:$0x3F9E];
	s0 =	simm.s32 @p0 $0x1  }
0x13: {  	[smem:$0x3FB9] =	sst s0;
	s0 =	simm.s32 @!p1 $0x0  }
0x14: {  	s2 =	sld [smem:$0x3F9D];
	s0 =	simm.s32 @p1 $0x1  }
0x15: {  	[smem:$0x3FBA] =	sst s0;
	s0 =	simm.s32 @!p2 $0x0  }
0x16: {  	s3 =	sld [smem:$0x3FDB];
	s0 =	simm.s32 @p2 $0x1  }
0x17: {  	s4 =	simm.s32 $0x1BF5;
	[smem:$0x3FBC] =	sst s0  }
0x18: {  	s0 =	sld [smem:$0x3F9F];
	_ =	swait.ge [sflag:s4], $0x0  }
0x19: {  	s7 =	sld [smem:$0x3FA0]  }
0x1a: {  	s8 =	sadd.s32 $0xFFFFE003, lr  }
0x1b: {  	s9 =	sadd.s32 $0xFFFFFEF7, lr;
	s5 =	simm.s32 $0xFFFFFFFF;
	p2 =	slt.u32 s8, $0xFFFFF086  }
0x1c: {  	p1 =	slt.u32 s9, $0xF7A;
	s5 =	simm.s32 @!p2 $0x0  }
0x1d: {  	s5 =	simm.s32 @p1 $0x1;
	p0 =	seq.s32 s7, s2  }
0x1e: {  	s7 =	smul.u32 @!p0 $0xF7A, s2;
	p2 =	seq.s32 @!p0 s5, $0x0  }
0x1f: {  	s9 =	smul.u32 $0xF7A, s1;
	s8 =	simm.s32 @!p0 $0x1BF5;
	p2 =	por !p2, p0  }
0x20: {  	[sflag:s8] =	ssyncset.s32 @!p0 $0xFFFFF086;
	s6 =	sadd.s32 @!p0 s3, s7;
	s7 =	simm.s32 @!p0 $0x108  }
0x21: {  	s3 =	sadd.s32 s3, s9;
	s6 =	sadd.s32 @!p0 $0x88, s6;
	s7 =	simm.s32 @p2 $0x1082  }
0x22: {  	[simem:s7], [sflag:s8] =	dma.local @!p0 [hbm:s6], $0xF7A  }
0x23: {  	s9 =	sor.u32 $0xD0000000, s2;
	s6 =	simm.s32 $0x108;
	_ =	swait.ge @!p0 [sflag:s8], $0x0  }
0x24: {  	s3 =	sadd.s32 $0x88, s3;
	s6 =	simm.s32 @!p1 $0x1082;
	[sflag:s4] =	ssyncset.s32 $0xFFFFF086  }
0x25: {  	[simem:s6], [sflag:s4] =	dma.local [hbm:s3], $0xF7A  }
0x26: {  	[smem:$0x3FA0] =	sst s1;
	(tag) =	ssettag s2;
	_ =	strace s9  }
0x27: {  	s1 =	sld [smem:$0x3FB0]  }
0x28: {  	s2 =	sld [smem:$0x3FB1]  }
0x29: {  	s4 =	sld [smem:$0x3FB3]  }
0x2a: {  	p0 =	seq.s32 s5, $0x0;
	s5 =	sld [smem:$0x3FB4]  }
0x2b: {  	s6 =	sld [smem:$0x3FB5]  }
0x2c: {  	s7 =	sld [smem:$0x3FB6]  }
0x2d: {  	s3 =	simm.s32 $0x108;
	s8 =	sld [smem:$0x3FB7]  }
0x2e: {  	s3 =	simm.s32 @!p0 $0x1082;
	s9 =	sld [smem:$0x3FB8]  }
0x2f: {  	lr =	sadd.s32 s0, s3;
	s0 =	sld [smem:$0x3FAF]  }
0x30: {  	s3 =	sld [smem:$0x3FB2]  }
0x31: {  	[smem:$0x3FBB] =	sst s10  }
0x32: {  	s10 =	sld [smem:$0x3FB9];
	_ =	sdelay $0x3  }
0x33: {  	p0 =	seq.s32 s10, $0x1;
	s10 =	sld [smem:$0x3FBB];
	_ =	sdelay $0x3  }
0x34: {  	[smem:$0x3FBB] =	sst s10  }
0x35: {  	s10 =	sld [smem:$0x3FBA];
	_ =	sdelay $0x3  }
0x36: {  	p1 =	seq.s32 s10, $0x1;
	s10 =	sld [smem:$0x3FBB];
	_ =	sdelay $0x3  }
0x37: {  	[smem:$0x3FBB] =	sst s10  }
0x38: {  	s10 =	sld [smem:$0x3FBC]  }
0x39: {  	_ = 	snop;
	(pc) =	sbr.ind lr, $3  }
0x3a: {  	_ = 	snop  }
0x3b: {  	_ = 	snop  }
0x3c: {  	p2 =	seq.s32 s10, $0x1;
	s10 =	sld [smem:$0x3FBB]  }
0x3d: {  	_ =	shalt  }
0x3e: {  	_ =	shalt  }
0x3f: {  	_ =	shalt  }
0x40: {  	_ =	shalt  }
0x41: {  	_ =	shalt  }
0x42: {  	_ =	shalt  }
0x43: {  	_ =	shalt  }
0x44: {  	_ =	shalt  }
0x45: {  	_ =	shalt  }
0x46: {  	_ =	shalt  }
0x47: {  	_ =	shalt  }
0x48: {  	_ =	shalt  }
0x49: {  	_ =	shalt  }
0x4a: {  	_ =	shalt  }
0x4b: {  	_ =	shalt  }
0x4c: {  	_ =	shalt  }
0x4d: {  	_ =	shalt  }
0x4e: {  	_ =	shalt  }
0x4f: {  	_ =	shalt  }
0x50: {  	_ =	shalt  }
0x51: {  	_ =	shalt  }
0x52: {  	_ =	shalt  }
0x53: {  	_ =	shalt  }
0x54: {  	_ =	shalt  }
0x55: {  	_ =	shalt  }
0x56: {  	_ =	shalt  }
0x57: {  	_ =	shalt  }
0x58: {  	_ =	shalt  }
0x59: {  	_ =	shalt  }
0x5a: {  	_ =	shalt  }
0x5b: {  	_ =	shalt  }
0x5c: {  	_ =	shalt  }
0x5d: {  	_ =	shalt  }
0x5e: {  	_ =	shalt  }
0x5f: {  	_ =	shalt  }
0x60: {  	_ =	shalt  }
0x61: {  	_ =	shalt  }
0x62: {  	_ =	shalt  }
0x63: {  	_ =	shalt  }
0x64: {  	_ =	shalt  }
0x65: {  	_ =	shalt  }
0x66: {  	_ =	shalt  }
0x67: {  	_ =	shalt  }
0x68: {  	_ =	shalt  }
0x69: {  	_ =	shalt  }
0x6a: {  	_ =	shalt  }
0x6b: {  	_ =	shalt  }
0x6c: {  	_ =	shalt  }
0x6d: {  	_ =	shalt  }
0x6e: {  	_ =	shalt  }
0x6f: {  	_ =	shalt  }
0x70: {  	_ =	shalt  }
0x71: {  	_ =	shalt  }
0x72: {  	_ =	shalt  }
0x73: {  	_ =	shalt  }
0x74: {  	_ =	shalt  }
0x75: {  	_ =	shalt  }
0x76: {  	_ =	shalt  }
0x77: {  	_ =	shalt  }
0x78: {  	_ =	shalt  }
0x79: {  	_ =	shalt  }
0x7a: {  	_ =	shalt  }
0x7b: {  	_ =	shalt  }
0x7c: {  	_ =	shalt  }
0x7d: {  	_ =	shalt  }
0x7e: {  	_ =	shalt  }
0x7f: {  	_ =	shalt  }
0x80: {  	_ =	shalt  }
0x81: {  	_ =	shalt  }
0x82: {  	_ =	shalt  }
0x83: {  	_ =	shalt  }
0x84: {  	_ =	shalt  }
0x85: {  	_ =	shalt  }
0x86: {  	_ =	shalt  }
0x87: {  	_ =	shalt  }
.Lfunc_end0:
.L_simem_size_0:
called_computation.1_lowered:
.L_overlay_start_0:
0x88: {  	s2 =	sld [smem:$0x3FD9]  }
0x89: {  	s3 =	sld [smem:$0x3FFE];
	_ =	sdelay $0x1  }
0x8a: {  	s1 =	srdreg.scid  }
0x8b: {  	s0 =	sand.u32 $0x1, s1  }
0x8c: {  	s16 =	sshll.u32 s0, $0xA;
	s2 =	sadd.s32 s3, s2  }
0x8d: {  	s2 =	sadd.s32 s2, s16  }
0x8e: {  	[smem:$0x3FC7] =	sst s2  }
0x8f: {  	_ = 	snop  }
0x90: {  	(tm) =	ssettm $0x1  }
0x91: {  	s17 =	sld [smem:$0x3FFB];
	_ =	sdelay $0x3  }
0x92: {  	_ =	strace s17  }
0x93: {  	s2 =	sld [smem:$0x3FFC];
	_ =	sdelay $0x3  }
0x94: {  	_ =	strace s2  }
0x95: {  	s2 =	sld [smem:$0x3FFD];
	_ =	sdelay $0x3  }
0x96: {  	_ =	strace s2  }
0x97: {  	_ =	strace $0x8FFFFFFF  }
0x98: {  	s18 =	sld [smem:$0x3FDB];
	_ =	sdelay $0x1  }
0x99: {  	s19 =	simm.s32 $_scs_section_size  }
0x9a: {  	s4 =	simm.s32 $_size__tile_overlayer_lowered;
	s5 =	simm.s32 $_tile_overlayer_lowered  }
0x9b: {  	s22 =	simm.s32 $0x1BFF;
	s21 =	sshll.u32 s5, $0x1;
	s2 =	sadd.s32 s19, s18  }
0x9c: {  	s6 =	simm.s32 $0x0;
	s20 =	sshll.u32 s4, $0x1;
	s4 =	sadd.s32 s21, s2  }
0x9d: {  	[timem:s6], [sflag:s22] =	dma.local [hbm:s4], s20  }
0x9e: {  	_ =	swait.ge [sflag:s22], s20  }
0x9f: {  	s3 =	ssub.s32 $0x0, s20;
	[sflag:s22] =	ssyncset.done $0x0  }
0xa0: {  	[sflag:s22] =	ssyncadd.s32 s3;
	_ =	sdelay $0x1  }
0xa1: {  	s23 =	simm.s32 $0x1B8B  }
0xa2: {  	_ =	swait.ge [sflag:s23], $0x1  }
0xa3: {  	[sflag:s23] =	ssyncset.done $0x0  }
0xa4: {  	s25 =	simm.s32 $0x1B8E;
	s24 =	sld [smem:$0x3FFE];
	[sflag:s23] =	ssyncadd.s32 $0xFFFFFFFF  }
0xa5: {  	s26 =	simm.s32 $execute0_lowered;
	[smem:$0x3FD2] =	sst s25  }
0xa6: {  	s4 =	sshll.u32 s26, $0x1;
	_ =	strace $0x80000049;
	[dreg:$0x1] =	wrdreg $0xFFFFFFFF  }
0xa7: {  	s28 =	simm.s32 $_size_execute0_lowered;
	s2 =	sadd.s32 s2, s4;
	[dreg:$0x0] =	wrdreg $0x0  }
0xa8: {  	s4 =	sshll.u32 s28, $0x1;
	[dreg:$0x2] =	wrdreg s2  }
0xa9: {  	[dreg:$0x3] =	wrdreg s4  }
0xaa: {  	[dreg:$0x4] =	wrdreg $0xC0  }
0xab: {  	_ =	task [dreg:s6], $0x5FFFF  }
0xac: {  	[dreg:$0x1] =	wrdreg $0xFFFFFFFF  }
0xad: {  	[dreg:$0x0] =	wrdreg $0x60  }
0xae: {  	[dreg:$0x2] =	wrdreg s24  }
0xaf: {  	[dreg:$0x3] =	wrdreg $0x9  }
0xb0: {  	_ =	task.clear_ibuf [dreg:s6], $0x4FFFF;
	_ =	strace $0x90000049  }
0xb1: {  	s29 =	simm.s32 $0x9;
	_ =	strace $0x8000004B  }
0xb2: {  	_ =	swait.ge [sflag:s29], $0x1  }
0xb3: {  	[sflag:s29] =	ssyncadd.s32 $0xFFFFFFFF  }
0xb4: {  	_ =	strace $0x9000004B  }
0xb5: {  	_ =	sfence  }
0xb6: {  	s30 =	sld [smem:$0x0];
	_ =	sdelay $0x2  }
0xb7: {  	s31 =	sshll.u32 s1, $0xD;
	s1 =	sshrl.u32 s1, $0x2  }
0xb8: {  	s3 =	sand.u32 $0x4000, s31;
	s1 =	sadd.s32 s1, s30  }
0xb9: {  	s0 =	sor.u32 s3, s0;
	s1 =	sshll.u32 s1, $0x11  }
0xba: {  	s0 =	sor.u32 s1, s0  }
0xbb: {  	s0 =	sadd.s32 $0x8F2B, s0  }
0xbc: {  	[sflag:s0] =	ssyncadd.remote.s32 $0x1  }
0xbd: {  	_ =	sfence.sel $0xFFFF  }
0xbe: {  	[dreg:$0x0] =	wrdreg $0xFFFFFFFF;
	(pc) =	sbr.abs _section_cstart, $3  }
0xbf: {  	[dreg:$0x1] =	wrdreg $0xFFFFFFFF  }
0xc0: {  	_ =	task.clear_ibuf [dreg:s6], $0x2FFFF;
	_ =	strace $0x9FFFFFFF  }
0xc1: {  	(tm) =	ssettm $0x7FFFFFFF  }
tec
execute0_lowered:
.L_overlay_start_1:
0x0: {  	(tag) =	ssettag $0x1  }
0x1: {  	s0 =	srdreg.scid  }
0x2: {  	s1 =	rddreg [dreg:$0x0];
	s8 =	stileid.u32;
	s2 =	simm.s32 $0x0  }
0x3: {  	s6 =	simm.s32 $0x1;
	s28 =	simm.s32 $0x14000;
	s29 =	simm.s32 $0x2  }
0x4: {  	s30 =	simm.s32 $0x18000;
	s31 =	simm.s32 $0x3;
	s0 =	sand.u32 $0x1, s0  }
0x5: {  	[smem:$0x7FF] =	sst s2;
	s5 =	sadd.s32 $0x401C00, s1;
	s3 =	sor.u32 s0, s8  }
0x6: {  	p0 =	seq.s32 s0, $0x1;
	_ =	strace $0x8000004A;
	s4 =	ssub.s32 $0x2, s0  }
0x7: {  	[dreg:$0x2] =	wrdreg s5;
	s5 =	sadd.s32 $0x401E00, s1;
	s11 =	sshll.u32 s0, $0x12  }
0x8: {  	p1 =	seq.s32 s3, $0x0;
	s3 =	sadd.s32 $0x1800, s1;
	s7 =	sshrl.u32 s4, $0x1  }
0x9: {  	p1 =	por !p1, !p0;
	s1 =	ssub.s32 s4, s7;
	s7 =	sshll.u32 s0, $0x4  }
0xa: {  	p1 =	por !p1, !p1;
	s24 =	sor.u32 $0x4, s7;
	s17 =	sor.u32 $0x5, s7  }
0xb: {  	s18 =	sor.u32 $0x6, s7;
	s25 =	sor.u32 $0x7, s7;
	[dreg:$0x8] =	wrdreg s24  }
0xc: {  	s1 =	smax.u32 s1, $0x1;
	s6 =	simm.s32 @!p1 $0x0;
	[dreg:$0x9] =	wrdreg s25  }
0xd: {  	[dreg:$0xb] =	wrdreg s1;
	p1 =	sne.s32 s0, $0x0;
	s24 =	simm.s32 $0x5000  }
0xe: {  	s25 =	simm.s32 $0xA000;
	s0 =	simm.s32 $0x5;
	s26 =	ssub.s32 s8, s6  }
0xf: {  	s1 =	simm.s32 $0x4;
	s6 =	simm.s32 $0x1;
	s8 =	sadd.s32 $0x30, s26  }
0x10: {  	s20 =	sshll.u32 s26, $0xA;
	s15 =	sshll.u32 s26, $0x13;
	s9 =	sshll.u32 s8, $0x10  }
0x11: {  	s10 =	sshll.u32 s8, $0x13;
	s8 =	simm.s32 $0x0;
	s13 =	sadd.s32 s3, s9  }
0x12: {  	s9 =	sand.u32 $0x1FFF0000, s9;
	s11 =	sor.u32 s11, s10;
	s14 =	sadd.s32 $0xFFFFF800, s10  }
0x13: {  	s12 =	sadd.s32 $0xFF00, s13;
	s9 =	sadd.s32 s9, s3;
	s11 =	sshrl.u32 s11, $0x3  }
0x14: {  	s26 =	sadd.s32 $0xF700, s13;
	[dreg:$0x3] =	wrdreg s12;
	s9 =	sadd.s32 $0x7F00, s9  }
.Ltmp0:
0x15: {  	s19 =	sadd.s32 s11, s3;
	[dreg:$0xa] =	wrdreg s26;
	(pc) =	sbr.rel .LBB2_1-.Ltmp0, $4  }
0x16: {  	s16 =	smov.u32 s13;
	[dreg:$0x4] =	wrdreg s9;
	s21 =	sadd.s32 $0x700, s19  }
0x17: {  	s11 =	sshra.s32 s20, $0x2;
	s22 =	sadd.s32 $0xF00, s19;
	[dreg:$0x5] =	wrdreg s21  }
0x18: {  	s9 =	sadd.s32 $0x1700, s19;
	s23 =	sadd.s32 $0x1C000, s11;
	[dreg:$0x6] =	wrdreg s22  }
0x19: {  	v1 =	vlaneseq.u32;
	s26 =	simm.s32 $0xF000;
	[dreg:$0x7] =	wrdreg s9;
	v0 =	vmov s23;
	s22 =	simm.s32 $0x6  }
.LBB2_20:
0x1a: {  	_ =	swait.ge [sflag:s0], $0x4000  }
0x1b: {  	[sflag:s0] =	ssyncset.done $0x0  }
0x1c: {  	[sflag:s0] =	ssyncadd.s32 $0xFFFFC000  }
0x1d: {  	_ =	swait.ge [sflag:s22], $0x4000  }
0x1e: {  	s8 =	rddreg [dreg:$0xc]  }
0x1f: {  	s4 =	rddreg [dreg:$0xb];
	s8 =	sadd.s32 $0x1, s8  }
0x20: {  	p2 =	sne.s32 s8, s4  }
.Ltmp1:
0x21: {  	_ = 	snop;
	(pc) =	sbr.rel @!p2 .LBB2_21-.Ltmp1, $3  }
0x22: {  	_ =	sdelay $0x1  }
0x23: {  	[sflag:s22] =	ssyncset.done $0x0  }
0x24: {  	[sflag:s22] =	ssyncadd.s32 $0xFFFFC000  }
.LBB2_1:
0x25: {  	[dreg:$0xc] =	wrdreg s8  }
0x26: {  	s4 =	rddreg [dreg:$0x2];
	s13 =	simm.s32 $0x1C000;
	s19 =	simm.s32 $0x7  }
0x27: {  	[tilespmem:s13], [sflag:$0x7] =	stream.linear.gather [hbm4b:s4+s2], $0x1000, $0x38;
	[tilespmem:$0x1D000] =	vst v63  }
0x28: {  	_ =	swait.ge [sflag:s19], $0x1000  }
0x29: {  	[sflag:s19] =	ssyncset.done $0x0  }
0x2a: {  	s4 =	simm.s32 @!p1 $0x0;
	s8 =	rddreg [dreg:$0x3];
	[sflag:s19] =	ssyncadd.s32 $0xFFFFF000  }
0x2b: {  	[tilespmem:s4], [sflag:$0x1] =	stream.linear.gather @!p1 [hbm4b:s8+s4], $0x800, $0x38;
	[tilespmem:$0x1D000] =	vst v63  }
0x2c: {  	s9 =	simm.s32 @!p1 $0x800  }
0x2d: {  	[tilespmem:s9], [sflag:$0x1] =	stream.linear.gather @!p1 [hbm4b:s16+s4], $0x4800, $0x38;
	[tilespmem:$0x1D000] =	vst v63  }
0x2e: {  	s8 =	rddreg [dreg:$0x4];
	s4 =	simm.s32 @p0 $0x0  }
0x2f: {  	[tilespmem:s4], [sflag:$0x1] =	stream.linear.gather @p0 [hbm4b:s8+s4], $0x5000, $0x38;
	[tilespmem:$0x1D000] =	vst v63  }
0x30: {  	s20 =	rddreg [dreg:$0x5]  }
0x31: {  	[tilespmem:s24], [sflag:$0x2] =	stream.linear.gather [hbm4b:s20+s2], $0x5000, $0x38;
	[tilespmem:$0x1D000] =	vst v63  }
0x32: {  	s21 =	rddreg [dreg:$0x6]  }
0x33: {  	[tilespmem:s25], [sflag:$0x3] =	stream.linear.gather [hbm4b:s21+s2], $0x5000, $0x38;
	[tilespmem:$0x1D000] =	vst v63  }
0x34: {  	s23 =	rddreg [dreg:$0x7];
	s9 =	simm.s32 $0x0  }
0x35: {  	[tilespmem:s26], [sflag:$0x4] =	stream.linear.gather [hbm4b:s23+s2], $0x5000, $0x38;
	[tilespmem:$0x1D000] =	vst v63  }
.LBB2_2:
0x36: {  	_ =	swait.ge [sflag:s6], $0x5000  }
0x37: {  	p3 =	seq.s32 s9, $0x0;
	[sflag:s6] =	ssyncset.done $0x0  }
0x38: {  	s4 =	simm.s32 @!p3 $0x5;
	[sflag:s6] =	ssyncadd.s32 $0xFFFFB000  }
0x39: {  	_ =	swait.ge @!p3 [sflag:s4], $0x4000  }
0x3a: {  	s10 =	sshll.u32 s9, $0x2;
	s11 =	simm.s32 $0x0;
	[sflag:s4] =	ssyncset.done @!p3 $0x0  }
0x3b: {  	s12 =	simm.s32 $0x14400;
	s13 =	simm.s32 $0x0;
	[sflag:s4] =	ssyncadd.s32 @!p3 $0xFFFFC000  }
.LBB2_3:
0x3c: {  	_ =	sdelay $0x2  }
0x3d: {  	s4 =	sshll.u32 s13, $0x4  }
0x3e: {  	v2 =	vld.idx.msk [tilespmem:v0+s4+$0x0 ss:$0x1], $0xffff;
	_ =	sdelay $0x4  }
0x3f: {  	s19 =	simm.s32 $0x7;
	s20 =	simm.s32 $0x1;
	v3 =	vsub.s32 $0x8, v2  }
0x40: {  	s21 =	simm.s32 $0x3;
	s23 =	simm.s32 $0x4;
	v2 =	vor.u32 s4, v1;
	v4 =	vadd.s32 s19, v3;
	v5 =	vadd.s32 s20, v3  }
0x41: {  	s8 =	simm.s32 $0x5;
	v7 =	vadd.s32 s21, v3;
	v8 =	vadd.s32 s23, v3;
	v4 =	vshll.u32 v4, $0x8  }
0x42: {  	s20 =	simm.s32 $0x2;
	v9 =	vadd.s32 s8, v3;
	v5 =	vshll.u32 v5, $0x8;
	v4 =	vadd.s32 v2, v4  }
0x43: {  	v6 =	vadd.s32 s20, v3;
	v7 =	vshll.u32 v7, $0x8;
	v5 =	vadd.s32 v2, v5  }
0x44: {  	s19 =	simm.s32 $0x6;
	v8 =	vshll.u32 v8, $0x8;
	v6 =	vshll.u32 v6, $0x8;
	v7 =	vadd.s32 v2, v7  }
0x45: {  	v9 =	vshll.u32 v9, $0x8;
	v10 =	vadd.s32 s19, v3;
	v6 =	vadd.s32 v2, v6  }
0x46: {  	s20 =	simm.s32 $0xF;
	v8 =	vadd.s32 v2, v8;
	v12 =	vadd.s32 v2, v9;
	v9 =	vshll.u32 v10, $0x8  }
0x47: {  	v11 =	vadd.s32 s11, v3;
	v10 =	vadd.s32 s20, v3;
	v14 =	vadd.s32 v2, v9;
	v4 =	vld.idx.msk [tilespmem:v4+s2+$0x0], $0xffff  }
0x48: {  	s21 =	simm.s32 $0x9;
	v11 =	vshll.u32 v11, $0x8;
	v10 =	vshll.u32 v10, $0x8;
	v5 =	vld.idx.msk [tilespmem:v5+s2+$0x0], $0xffff  }
0x49: {  	s23 =	simm.s32 $0xA;
	s8 =	simm.s32 $0xB;
	v15 =	vadd.s32 v2, v11;
	v9 =	vadd.s32 s21, v3;
	v18 =	vadd.s32 v2, v10;
	v11 =	vld.idx.msk [tilespmem:v7+s2+$0x0], $0xffff  }
0x4a: {  	v7 =	vadd.s32 s8, v3;
	v17 =	vld.idx.msk [tilespmem:v6+s2+$0x0], $0xffff;
	v6 =	vshll.u32 v9, $0x8;
	v9 =	vadd.s32 s23, v3  }
0x4b: {  	s19 =	simm.s32 $0xC;
	v7 =	vshll.u32 v7, $0x8;
	v13 =	vadd.s32 v2, v6;
	v6 =	vshll.u32 v9, $0x8;
	v9 =	vld.idx.msk [tilespmem:v8+s2+$0x0], $0xffff  }
0x4c: {  	v16 =	vadd.s32 s19, v3;
	s20 =	simm.s32 $0xD;
	v10 =	vadd.s32 v2, v7;
	v7 =	vld.idx.msk [tilespmem:v14+s2+$0x0], $0xffff;
	v8 =	vadd.s32 v2, v6  }
0x4d: {  	s21 =	simm.s32 $0xE;
	v6 =	vld.idx.msk [tilespmem:v12+s2+$0x0], $0xffff;
	v12 =	vshll.u32 v16, $0x8;
	v16 =	vadd.s32 s20, v3;
	[tilespmem:s12+$0x300] =	vst v4  }
0x4e: {  	s4 =	simm.s32 $0x18;
	s23 =	simm.s32 $0x8;
	v12 =	vadd.s32 v2, v12;
	v14 =	vshll.u32 v16, $0x8;
	v16 =	vadd.s32 s21, v3;
	v4 =	vld.idx.msk [tilespmem:v15+s2+$0x0], $0xffff;
	[tilespmem:s12+$0xFFFFFD00] =	vst v5  }
0x4f: {  	s19 =	simm.s32 $0x17;
	s21 =	simm.s32 $0x10;
	v15 =	vadd.s32 s23, v3;
	v14 =	vadd.s32 v2, v14;
	v16 =	vshll.u32 v16, $0x8;
	v5 =	vld.idx.msk [tilespmem:v18+s2+$0x0], $0xffff;
	s23 =	smov.u32 s12;
	[tilespmem:s12+$0xFFFFFE00] =	vst v17  }
.LBB2_4:
0x50: {  	p2 =	slt.u32 s4, $0x38;
	s20 =	sadd.s32 $0x1, s21;
	v17 =	vadd.s32 s19, v3;
	v15 =	vshll.u32 v15, $0x8;
	v18 =	vld.idx.msk [tilespmem:v13+s2+$0x0], $0xffff;
	v16 =	vadd.s32 v2, v16;
	[tilespmem:s23+$0xFFFFFF00] =	vst v11  }
0x51: {  	s19 =	sadd.s32 $0x2, s21;
	v11 =	vadd.s32 s20, v3;
	v13 =	vshll.u32 v17, $0x8;
	v15 =	vadd.s32 v2, v15;
	v17 =	vld.idx.msk [tilespmem:v8+s2+$0x0], $0xffff;
	[tilespmem:s23+$0x0] =	vst v9  }
0x52: {  	v9 =	vadd.s32 s19, v3;
	s19 =	sadd.s32 $0x3, s21;
	v8 =	vshll.u32 v11, $0x8;
	v19 =	vadd.s32 v2, v13;
	v11 =	vld.idx.msk [tilespmem:v10+s2+$0x0], $0xffff;
	[tilespmem:s23+$0x100] =	vst v6  }
.Ltmp2:
0x53: {  	v6 =	vshll.u32 v9, $0x8;
	v10 =	vadd.s32 s19, v3;
	s19 =	sadd.s32 $0x4, s21;
	v13 =	vadd.s32 v2, v8;
	v9 =	vld.idx.msk [tilespmem:v12+s2+$0x0], $0xffff;
	[tilespmem:s23+$0x200] =	vst v7;
	(pc) =	sbr.rel @p2 .LBB2_4-.Ltmp2, $4  }
0x54: {  	v8 =	vadd.s32 v2, v6;
	v7 =	vshll.u32 v10, $0x8;
	v12 =	vadd.s32 s19, v3;
	s19 =	sadd.s32 $0x5, s21;
	v6 =	vld.idx.msk [tilespmem:v14+s2+$0x0], $0xffff;
	[tilespmem:s23+$0xFFFFFC00] =	vst v4;
	s23 =	sadd.s32 $0x800, s23  }
0x55: {  	v10 =	vadd.s32 v2, v7;
	v4 =	vshll.u32 v12, $0x8;
	v14 =	vadd.s32 s19, v3;
	s19 =	sadd.s32 $0x6, s21;
	v7 =	vld.idx.msk [tilespmem:v16+s2+$0x0], $0xffff;
	[tilespmem:s23+$0x300] =	vst v5  }
0x56: {  	v12 =	vadd.s32 v2, v4;
	v5 =	vshll.u32 v14, $0x8;
	v16 =	vadd.s32 s19, v3;
	v4 =	vld.idx.msk [tilespmem:v15+s2+$0x0], $0xffff;
	[tilespmem:s23+$0xFFFFFD00] =	vst v18  }
0x57: {  	s19 =	sadd.s32 $0x7, s4;
	v15 =	vadd.s32 s21, v3;
	v14 =	vadd.s32 v2, v5;
	v16 =	vshll.u32 v16, $0x8;
	s21 =	smov.u32 s4;
	s4 =	sadd.s32 $0x8, s4;
	v5 =	vld.idx.msk [tilespmem:v19+s2+$0x0], $0xffff;
	[tilespmem:s23+$0xFFFFFE00] =	vst v17  }
0x58: {  	_ =	sdelay $0x2  }
0x59: {  	[tilespmem:s23+$0xFFFFFF00] =	vst v11  }
0x5a: {  	s4 =	sadd.s32 $0x1, s21;
	v45 =	vadd.s32 s19, v3;
	v15 =	vshll.u32 v15, $0x8;
	v13 =	vld.idx.msk [tilespmem:v13+s2+$0x0], $0xffff;
	v16 =	vadd.s32 v2, v16;
	[tilespmem:s23+$0x0] =	vst v9  }
0x5b: {  	s8 =	sadd.s32 $0x2, s21;
	v8 =	vld.idx.msk [tilespmem:v8+s2+$0x0], $0xffff;
	v46 =	vadd.s32 s4, v3;
	v11 =	vshll.u32 v45, $0x8;
	v15 =	vadd.s32 v2, v15;
	[tilespmem:s23+$0x100] =	vst v6  }
0x5c: {  	s19 =	sadd.s32 $0x3, s21;
	v10 =	vld.idx.msk [tilespmem:v10+s2+$0x0], $0xffff;
	v48 =	vadd.s32 s8, v3;
	v47 =	vshll.u32 v46, $0x8;
	v11 =	vadd.s32 v2, v11;
	[tilespmem:s23+$0x200] =	vst v7  }
0x5d: {  	s20 =	sadd.s32 $0x4, s21;
	v12 =	vld.idx.msk [tilespmem:v12+s2+$0x0], $0xffff;
	v50 =	vadd.s32 s19, v3;
	v49 =	vshll.u32 v48, $0x8;
	v6 =	vadd.s32 v2, v47;
	[tilespmem:s23+$0xFFFFFC00] =	vst v4;
	s23 =	sadd.s32 $0x800, s23  }
0x5e: {  	v14 =	vld.idx.msk [tilespmem:v14+s2+$0x0], $0xffff;
	v53 =	vadd.s32 s20, v3;
	s8 =	sadd.s32 $0x5, s21;
	v52 =	vshll.u32 v50, $0x8;
	v51 =	vadd.s32 v2, v49;
	[tilespmem:s23+$0x300] =	vst v5  }
0x5f: {  	s20 =	sadd.s32 $0x6, s21;
	v55 =	vshll.u32 v53, $0x8;
	v56 =	vadd.s32 s8, v3;
	v54 =	vadd.s32 v2, v52;
	v16 =	vld.idx.msk [tilespmem:v16+s2+$0x0], $0xffff;
	[tilespmem:s23+$0xFFFFFD00] =	vst v13  }
0x60: {  	v57 =	vadd.s32 s20, v3;
	v7 =	vadd.s32 v2, v55;
	v9 =	vshll.u32 v56, $0x8;
	[tilespmem:s23+$0xFFFFFE00] =	vst v8;
	v15 =	vld.idx.msk [tilespmem:v15+s2+$0x0], $0xffff  }
0x61: {  	v3 =	vadd.s32 s21, v3;
	v59 =	vshll.u32 v57, $0x8;
	v58 =	vadd.s32 v2, v9;
	[tilespmem:s23+$0xFFFFFF00] =	vst v10;
	v11 =	vld.idx.msk [tilespmem:v11+s2+$0x0], $0xffff  }
0x62: {  	v3 =	vshll.u32 v3, $0x8;
	v9 =	vadd.s32 v2, v59;
	[tilespmem:s23+$0x0] =	vst v12;
	v6 =	vld.idx.msk [tilespmem:v6+s2+$0x0], $0xffff  }
0x63: {  	v2 =	vadd.s32 v2, v3;
	[tilespmem:s23+$0x100] =	vst v14;
	v3 =	vld.idx.msk [tilespmem:v51+s2+$0x0], $0xffff  }
0x64: {  	v60 =	vld.idx.msk [tilespmem:v54+s2+$0x0], $0xffff;
	[tilespmem:s23+$0x200] =	vst v16  }
0x65: {  	v61 =	vld.idx.msk [tilespmem:v7+s2+$0x0], $0xffff;
	[tilespmem:s23+$0xFFFFFC00] =	vst v15;
	s23 =	sadd.s32 $0x800, s23  }
0x66: {  	v62 =	vld.idx.msk [tilespmem:v58+s2+$0x0], $0xffff;
	[tilespmem:s23+$0x300] =	vst v11  }
0x67: {  	s13 =	sadd.s32 $0x1, s13;
	v63 =	vld.idx.msk [tilespmem:v9+s2+$0x0], $0xffff;
	[tilespmem:s23+$0xFFFFFD00] =	vst v6  }
0x68: {  	p2 =	sne.s32 s13, $0x10;
	v2 =	vld.idx.msk [tilespmem:v2+s2+$0x0], $0xffff;
	[tilespmem:s23+$0xFFFFFE00] =	vst v3  }
.Ltmp3:
0x69: {  	[tilespmem:s23+$0xFFFFFF00] =	vst v60;
	(pc) =	sbr.rel @p2 .LBB2_3-.Ltmp3, $4  }
0x6a: {  	[tilespmem:s23+$0x0] =	vst v61  }
0x6b: {  	[tilespmem:s23+$0x100] =	vst v62  }
0x6c: {  	[tilespmem:s23+$0x200] =	vst v63  }
0x6d: {  	s12 =	sadd.s32 $0x10, s12;
	[tilespmem:s23+$0xFFFFFC00] =	vst v2  }
0x6e: {  	s4 =	sadd.s32 s7, s10  }
0x6f: {  	s4 =	sshll.u32 s4, $0xE  }
0x70: {  	s4 =	sadd.s32 s15, s4  }
0x71: {  	s4 =	sshrl.u32 s4, $0x3  }
0x72: {  	s4 =	sadd.s32 s5, s4  }
0x73: {  	[hbm4b:s4+s2] =	stream.linear.scatter [tilespmem:s28], [sflag:$0x5], $0x4000, $0x38;
	[tilespmem:$0x1D000] =	vst v63  }
0x74: {  	p2 =	seq.s32 s9, $0x3;
	s4 =	rddreg [dreg:$0x8]  }
0x75: {  	s4 =	sadd.s32 @!p2 s10, s4  }
0x76: {  	s4 =	sshll.u32 @!p2 s4, $0xE  }
0x77: {  	s4 =	sadd.s32 @!p2 s4, s14  }
0x78: {  	s4 =	sshrl.u32 @!p2 s4, $0x3  }
0x79: {  	s11 =	simm.s32 @!p2 $0x0;
	s4 =	sadd.s32 @!p2 s3, s4  }
0x7a: {  	[tilespmem:s11], [sflag:$0x1] =	stream.linear.gather @!p2 [hbm4b:s4+s11], $0x5000, $0x38;
	[tilespmem:$0x1D000] =	vst v63  }
0x7b: {  	_ =	swait.ge [sflag:s29], $0x5000  }
0x7c: {  	[sflag:s29] =	ssyncset.done $0x0  }
0x7d: {  	s4 =	simm.s32 @!p3 $0x6;
	[sflag:s29] =	ssyncadd.s32 $0xFFFFB000  }
0x7e: {  	_ =	swait.ge @!p3 [sflag:s4], $0x4000  }
0x7f: {  	s12 =	simm.s32 $0x0;
	s21 =	simm.s32 $0x0;
	[sflag:s4] =	ssyncset.done @!p3 $0x0  }
0x80: {  	s11 =	sor.u32 $0x1, s10;
	[sflag:s4] =	ssyncadd.s32 @!p3 $0xFFFFC000;
	s4 =	simm.s32 $0x18400  }
.LBB2_7:
0x81: {  	_ =	sdelay $0x2  }
0x82: {  	s13 =	sshll.u32 s21, $0x4  }
0x83: {  	v2 =	vld.idx.msk [tilespmem:v0+s13+$0x0 ss:$0x1], $0xffff;
	_ =	sdelay $0x4  }
0x84: {  	s19 =	simm.s32 $0x7;
	v3 =	vsub.s32 $0x8, v2  }
0x85: {  	s20 =	simm.s32 $0x1;
	v4 =	vadd.s32 s19, v3  }
0x86: {  	s8 =	simm.s32 $0x2;
	v2 =	vor.u32 s13, v1;
	v5 =	vadd.s32 s20, v3;
	v4 =	vshll.u32 v4, $0x8  }
0x87: {  	v6 =	vadd.s32 s8, v3;
	s19 =	simm.s32 $0x3;
	v5 =	vshll.u32 v5, $0x8;
	v4 =	vadd.s32 v2, v4  }
0x88: {  	s20 =	simm.s32 $0x4;
	v6 =	vshll.u32 v6, $0x8;
	v7 =	vadd.s32 s19, v3;
	v5 =	vadd.s32 v2, v5  }
0x89: {  	s23 =	simm.s32 $0x5;
	v8 =	vadd.s32 s20, v3;
	v6 =	vadd.s32 v2, v6;
	v7 =	vshll.u32 v7, $0x8  }
0x8a: {  	v9 =	vadd.s32 s23, v3;
	s8 =	simm.s32 $0x6;
	v8 =	vshll.u32 v8, $0x8;
	v7 =	vadd.s32 v2, v7  }
0x8b: {  	v9 =	vshll.u32 v9, $0x8;
	v10 =	vadd.s32 s8, v3;
	v8 =	vadd.s32 v2, v8  }
0x8c: {  	v11 =	vadd.s32 s12, v3;
	s19 =	simm.s32 $0xF;
	v12 =	vadd.s32 v2, v9;
	v9 =	vshll.u32 v10, $0x8;
	v4 =	vld.idx.msk [tilespmem:v4+s24+$0x0], $0xffff  }
0x8d: {  	s20 =	simm.s32 $0x9;
	v11 =	vshll.u32 v11, $0x8;
	v10 =	vadd.s32 s19, v3;
	v14 =	vadd.s32 v2, v9;
	v5 =	vld.idx.msk [tilespmem:v5+s24+$0x0], $0xffff  }
0x8e: {  	s23 =	simm.s32 $0xA;
	v15 =	vadd.s32 v2, v11;
	v9 =	vadd.s32 s20, v3;
	v10 =	vshll.u32 v10, $0x8;
	v17 =	vld.idx.msk [tilespmem:v6+s24+$0x0], $0xffff  }
0x8f: {  	s8 =	simm.s32 $0xB;
	v18 =	vadd.s32 v2, v10;
	v6 =	vshll.u32 v9, $0x8;
	v9 =	vadd.s32 s23, v3;
	v11 =	vld.idx.msk [tilespmem:v7+s24+$0x0], $0xffff  }
0x90: {  	s19 =	simm.s32 $0xC;
	v13 =	vadd.s32 v2, v6;
	v6 =	vshll.u32 v9, $0x8;
	v7 =	vadd.s32 s8, v3;
	v9 =	vld.idx.msk [tilespmem:v8+s24+$0x0], $0xffff  }
0x91: {  	v16 =	vadd.s32 s19, v3;
	s20 =	simm.s32 $0xD;
	v8 =	vadd.s32 v2, v6;
	v7 =	vshll.u32 v7, $0x8;
	v6 =	vld.idx.msk [tilespmem:v12+s24+$0x0], $0xffff  }
0x92: {  	s23 =	simm.s32 $0xE;
	v12 =	vshll.u32 v16, $0x8;
	v16 =	vadd.s32 s20, v3;
	v10 =	vadd.s32 v2, v7;
	v7 =	vld.idx.msk [tilespmem:v14+s24+$0x0], $0xffff;
	[tilespmem:s4+$0x300] =	vst v4  }
0x93: {  	s13 =	smov.u32 s4;
	s8 =	simm.s32 $0x8;
	v12 =	vadd.s32 v2, v12;
	v14 =	vshll.u32 v16, $0x8;
	v16 =	vadd.s32 s23, v3;
	v4 =	vld.idx.msk [tilespmem:v15+s24+$0x0], $0xffff;
	[tilespmem:s4+$0xFFFFFD00] =	vst v5  }
0x94: {  	s19 =	simm.s32 $0x18;
	s20 =	simm.s32 $0x17;
	s23 =	simm.s32 $0x10;
	v14 =	vadd.s32 v2, v14;
	v16 =	vshll.u32 v16, $0x8;
	v15 =	vadd.s32 s8, v3;
	v5 =	vld.idx.msk [tilespmem:v18+s24+$0x0], $0xffff;
	[tilespmem:s4+$0xFFFFFE00] =	vst v17  }
.LBB2_8:
0x95: {  	p3 =	slt.u32 s19, $0x38;
	s8 =	sadd.s32 $0x1, s23;
	v17 =	vadd.s32 s20, v3;
	v15 =	vshll.u32 v15, $0x8;
	v18 =	vld.idx.msk [tilespmem:v13+s24+$0x0], $0xffff;
	v16 =	vadd.s32 v2, v16;
	[tilespmem:s13+$0xFFFFFF00] =	vst v11  }
0x96: {  	v11 =	vadd.s32 s8, v3;
	s8 =	sadd.s32 $0x2, s23;
	v13 =	vshll.u32 v17, $0x8;
	v15 =	vadd.s32 v2, v15;
	v17 =	vld.idx.msk [tilespmem:v8+s24+$0x0], $0xffff;
	[tilespmem:s13+$0x0] =	vst v9  }
0x97: {  	v8 =	vshll.u32 v11, $0x8;
	v9 =	vadd.s32 s8, v3;
	s8 =	sadd.s32 $0x3, s23;
	v19 =	vadd.s32 v2, v13;
	v11 =	vld.idx.msk [tilespmem:v10+s24+$0x0], $0xffff;
	[tilespmem:s13+$0x100] =	vst v6  }
.Ltmp4:
0x98: {  	v13 =	vadd.s32 v2, v8;
	v6 =	vshll.u32 v9, $0x8;
	v10 =	vadd.s32 s8, v3;
	s8 =	sadd.s32 $0x4, s23;
	v9 =	vld.idx.msk [tilespmem:v12+s24+$0x0], $0xffff;
	[tilespmem:s13+$0x200] =	vst v7;
	(pc) =	sbr.rel @p3 .LBB2_8-.Ltmp4, $4  }
0x99: {  	v8 =	vadd.s32 v2, v6;
	v7 =	vshll.u32 v10, $0x8;
	v12 =	vadd.s32 s8, v3;
	s8 =	sadd.s32 $0x5, s23;
	v6 =	vld.idx.msk [tilespmem:v14+s24+$0x0], $0xffff;
	[tilespmem:s13+$0xFFFFFC00] =	vst v4;
	s13 =	sadd.s32 $0x800, s13  }
0x9a: {  	v10 =	vadd.s32 v2, v7;
	v4 =	vshll.u32 v12, $0x8;
	v14 =	vadd.s32 s8, v3;
	s8 =	sadd.s32 $0x6, s23;
	v7 =	vld.idx.msk [tilespmem:v16+s24+$0x0], $0xffff;
	[tilespmem:s13+$0x300] =	vst v5  }
0x9b: {  	v12 =	vadd.s32 v2, v4;
	v5 =	vshll.u32 v14, $0x8;
	v16 =	vadd.s32 s8, v3;
	v4 =	vld.idx.msk [tilespmem:v15+s24+$0x0], $0xffff;
	[tilespmem:s13+$0xFFFFFD00] =	vst v18  }
0x9c: {  	s20 =	sadd.s32 $0x7, s19;
	v15 =	vadd.s32 s23, v3;
	s23 =	smov.u32 s19;
	s19 =	sadd.s32 $0x8, s19;
	v14 =	vadd.s32 v2, v5;
	v16 =	vshll.u32 v16, $0x8;
	v5 =	vld.idx.msk [tilespmem:v19+s24+$0x0], $0xffff;
	[tilespmem:s13+$0xFFFFFE00] =	vst v17  }
0x9d: {  	_ =	sdelay $0x2  }
0x9e: {  	[tilespmem:s13+$0xFFFFFF00] =	vst v11  }
0x9f: {  	s8 =	sadd.s32 $0x1, s23;
	v45 =	vadd.s32 s20, v3;
	v15 =	vshll.u32 v15, $0x8;
	v13 =	vld.idx.msk [tilespmem:v13+s24+$0x0], $0xffff;
	v16 =	vadd.s32 v2, v16;
	[tilespmem:s13+$0x0] =	vst v9  }
0xa0: {  	s20 =	sadd.s32 $0x2, s23;
	v8 =	vld.idx.msk [tilespmem:v8+s24+$0x0], $0xffff;
	v46 =	vadd.s32 s8, v3;
	v11 =	vshll.u32 v45, $0x8;
	v15 =	vadd.s32 v2, v15;
	[tilespmem:s13+$0x100] =	vst v6  }
0xa1: {  	s19 =	sadd.s32 $0x3, s23;
	v10 =	vld.idx.msk [tilespmem:v10+s24+$0x0], $0xffff;
	v48 =	vadd.s32 s20, v3;
	v47 =	vshll.u32 v46, $0x8;
	v11 =	vadd.s32 v2, v11;
	[tilespmem:s13+$0x200] =	vst v7  }
0xa2: {  	v12 =	vld.idx.msk [tilespmem:v12+s24+$0x0], $0xffff;
	v50 =	vadd.s32 s19, v3;
	s20 =	sadd.s32 $0x4, s23;
	v49 =	vshll.u32 v48, $0x8;
	v6 =	vadd.s32 v2, v47;
	[tilespmem:s13+$0xFFFFFC00] =	vst v4;
	s13 =	sadd.s32 $0x800, s13  }
0xa3: {  	v14 =	vld.idx.msk [tilespmem:v14+s24+$0x0], $0xffff;
	s19 =	sadd.s32 $0x5, s23;
	v52 =	vshll.u32 v50, $0x8;
	v53 =	vadd.s32 s20, v3;
	v51 =	vadd.s32 v2, v49;
	[tilespmem:s13+$0x300] =	vst v5  }
0xa4: {  	v56 =	vadd.s32 s19, v3;
	s20 =	sadd.s32 $0x6, s23;
	v54 =	vadd.s32 v2, v52;
	v55 =	vshll.u32 v53, $0x8;
	v16 =	vld.idx.msk [tilespmem:v16+s24+$0x0], $0xffff;
	[tilespmem:s13+$0xFFFFFD00] =	vst v13  }
0xa5: {  	v9 =	vshll.u32 v56, $0x8;
	v57 =	vadd.s32 s20, v3;
	v7 =	vadd.s32 v2, v55;
	[tilespmem:s13+$0xFFFFFE00] =	vst v8;
	v15 =	vld.idx.msk [tilespmem:v15+s24+$0x0], $0xffff  }
0xa6: {  	v3 =	vadd.s32 s23, v3;
	v58 =	vadd.s32 v2, v9;
	v59 =	vshll.u32 v57, $0x8;
	[tilespmem:s13+$0xFFFFFF00] =	vst v10;
	v11 =	vld.idx.msk [tilespmem:v11+s24+$0x0], $0xffff  }
0xa7: {  	v3 =	vshll.u32 v3, $0x8;
	v9 =	vadd.s32 v2, v59;
	[tilespmem:s13+$0x0] =	vst v12;
	v6 =	vld.idx.msk [tilespmem:v6+s24+$0x0], $0xffff  }
0xa8: {  	v2 =	vadd.s32 v2, v3;
	[tilespmem:s13+$0x100] =	vst v14;
	v3 =	vld.idx.msk [tilespmem:v51+s24+$0x0], $0xffff  }
0xa9: {  	v60 =	vld.idx.msk [tilespmem:v54+s24+$0x0], $0xffff;
	[tilespmem:s13+$0x200] =	vst v16  }
0xaa: {  	s23 =	sadd.s32 $0x800, s13;
	v61 =	vld.idx.msk [tilespmem:v7+s24+$0x0], $0xffff;
	[tilespmem:s13+$0xFFFFFC00] =	vst v15  }
0xab: {  	v62 =	vld.idx.msk [tilespmem:v58+s24+$0x0], $0xffff;
	[tilespmem:s23+$0x300] =	vst v11  }
0xac: {  	s21 =	sadd.s32 $0x1, s21;
	v63 =	vld.idx.msk [tilespmem:v9+s24+$0x0], $0xffff;
	[tilespmem:s23+$0xFFFFFD00] =	vst v6  }
0xad: {  	p3 =	sne.s32 s21, $0x10;
	v2 =	vld.idx.msk [tilespmem:v2+s24+$0x0], $0xffff;
	[tilespmem:s23+$0xFFFFFE00] =	vst v3  }
.Ltmp5:
0xae: {  	[tilespmem:s23+$0xFFFFFF00] =	vst v60;
	(pc) =	sbr.rel @p3 .LBB2_7-.Ltmp5, $4  }
0xaf: {  	[tilespmem:s23+$0x0] =	vst v61  }
0xb0: {  	[tilespmem:s23+$0x100] =	vst v62  }
0xb1: {  	[tilespmem:s23+$0x200] =	vst v63  }
0xb2: {  	s4 =	sadd.s32 $0x10, s4;
	[tilespmem:s23+$0xFFFFFC00] =	vst v2  }
0xb3: {  	s4 =	sadd.s32 s7, s11  }
0xb4: {  	s4 =	sshll.u32 s4, $0xE  }
0xb5: {  	s4 =	sadd.s32 s15, s4  }
0xb6: {  	s4 =	sshrl.u32 s4, $0x3  }
0xb7: {  	s4 =	sadd.s32 s5, s4  }
0xb8: {  	[hbm4b:s4+s2] =	stream.linear.scatter [tilespmem:s30], [sflag:$0x6], $0x4000, $0x38;
	[tilespmem:$0x1D000] =	vst v63  }
0xb9: {  	s4 =	sadd.s32 @!p2 s10, s17  }
0xba: {  	p3 =	sgt.u32 @!p2 s4, $0x1E  }
0xbb: {  	p3 =	por p3, p2  }
0xbc: {  	s4 =	sshll.u32 @!p3 s4, $0xE  }
0xbd: {  	s4 =	sadd.s32 @!p3 s14, s4  }
0xbe: {  	s4 =	sshrl.u32 @!p3 s4, $0x3  }
0xbf: {  	s8 =	simm.s32 @!p3 $0x0;
	s11 =	simm.s32 @!p3 $0x5000;
	s4 =	sadd.s32 @!p3 s3, s4  }
0xc0: {  	[tilespmem:s11], [sflag:$0x2] =	stream.linear.gather @!p3 [hbm4b:s4+s8], $0x5000, $0x38;
	[tilespmem:$0x1D000] =	vst v63  }
0xc1: {  	_ =	swait.ge [sflag:s31], $0x5000  }
0xc2: {  	[sflag:s31] =	ssyncset.done $0x0  }
0xc3: {  	[sflag:s31] =	ssyncadd.s32 $0xFFFFB000  }
0xc4: {  	_ =	swait.ge [sflag:s0], $0x4000  }
0xc5: {  	s12 =	simm.s32 $0x14400;
	[sflag:s0] =	ssyncset.done $0x0  }
0xc6: {  	s13 =	simm.s32 $0x0;
	s11 =	simm.s32 $0x0;
	[sflag:s0] =	ssyncadd.s32 $0xFFFFC000  }
.LBB2_11:
0xc7: {  	_ =	sdelay $0x2  }
0xc8: {  	s4 =	sshll.u32 s13, $0x4  }
0xc9: {  	v2 =	vld.idx.msk [tilespmem:v0+s4+$0x0 ss:$0x1], $0xffff;
	_ =	sdelay $0x4  }
0xca: {  	s8 =	simm.s32 $0x7;
	v3 =	vsub.s32 $0x8, v2  }
0xcb: {  	s19 =	simm.s32 $0x1;
	v4 =	vadd.s32 s8, v3  }
0xcc: {  	s20 =	simm.s32 $0x2;
	v2 =	vor.u32 s4, v1;
	v5 =	vadd.s32 s19, v3;
	v4 =	vshll.u32 v4, $0x8  }
0xcd: {  	s21 =	simm.s32 $0x3;
	v6 =	vadd.s32 s20, v3;
	v5 =	vshll.u32 v5, $0x8;
	v4 =	vadd.s32 v2, v4  }
0xce: {  	s23 =	simm.s32 $0x4;
	v7 =	vadd.s32 s21, v3;
	v6 =	vshll.u32 v6, $0x8;
	v5 =	vadd.s32 v2, v5  }
0xcf: {  	v8 =	vadd.s32 s23, v3;
	s8 =	simm.s32 $0x5;
	v7 =	vshll.u32 v7, $0x8;
	v6 =	vadd.s32 v2, v6  }
0xd0: {  	s19 =	simm.s32 $0x6;
	v8 =	vshll.u32 v8, $0x8;
	v9 =	vadd.s32 s8, v3;
	v7 =	vadd.s32 v2, v7  }
0xd1: {  	v10 =	vadd.s32 s19, v3;
	v8 =	vadd.s32 v2, v8;
	v9 =	vshll.u32 v9, $0x8  }
0xd2: {  	s20 =	simm.s32 $0xF;
	v11 =	vadd.s32 s11, v3;
	v12 =	vadd.s32 v2, v9;
	v9 =	vshll.u32 v10, $0x8;
	v4 =	vld.idx.msk [tilespmem:v4+s25+$0x0], $0xffff  }
0xd3: {  	s21 =	simm.s32 $0x9;
	v11 =	vshll.u32 v11, $0x8;
	v10 =	vadd.s32 s20, v3;
	v14 =	vadd.s32 v2, v9;
	v5 =	vld.idx.msk [tilespmem:v5+s25+$0x0], $0xffff  }
0xd4: {  	s23 =	simm.s32 $0xA;
	v15 =	vadd.s32 v2, v11;
	v9 =	vadd.s32 s21, v3;
	v10 =	vshll.u32 v10, $0x8;
	v17 =	vld.idx.msk [tilespmem:v6+s25+$0x0], $0xffff  }
0xd5: {  	s8 =	simm.s32 $0xB;
	v18 =	vadd.s32 v2, v10;
	v6 =	vshll.u32 v9, $0x8;
	v9 =	vadd.s32 s23, v3;
	v11 =	vld.idx.msk [tilespmem:v7+s25+$0x0], $0xffff  }
0xd6: {  	s19 =	simm.s32 $0xC;
	v7 =	vadd.s32 s8, v3;
	v13 =	vadd.s32 v2, v6;
	v6 =	vshll.u32 v9, $0x8;
	v9 =	vld.idx.msk [tilespmem:v8+s25+$0x0], $0xffff  }
0xd7: {  	v16 =	vadd.s32 s19, v3;
	s20 =	simm.s32 $0xD;
	v7 =	vshll.u32 v7, $0x8;
	v8 =	vadd.s32 v2, v6;
	v6 =	vld.idx.msk [tilespmem:v12+s25+$0x0], $0xffff  }
0xd8: {  	s21 =	simm.s32 $0xE;
	v10 =	vadd.s32 v2, v7;
	v12 =	vshll.u32 v16, $0x8;
	v16 =	vadd.s32 s20, v3;
	v7 =	vld.idx.msk [tilespmem:v14+s25+$0x0], $0xffff;
	[tilespmem:s12+$0x300] =	vst v4  }
0xd9: {  	s4 =	smov.u32 s12;
	s23 =	simm.s32 $0x8;
	v12 =	vadd.s32 v2, v12;
	v14 =	vshll.u32 v16, $0x8;
	v16 =	vadd.s32 s21, v3;
	v4 =	vld.idx.msk [tilespmem:v15+s25+$0x0], $0xffff;
	[tilespmem:s12+$0xFFFFFD00] =	vst v5  }
0xda: {  	s19 =	simm.s32 $0x18;
	s20 =	simm.s32 $0x17;
	s21 =	simm.s32 $0x10;
	v14 =	vadd.s32 v2, v14;
	v16 =	vshll.u32 v16, $0x8;
	v15 =	vadd.s32 s23, v3;
	v5 =	vld.idx.msk [tilespmem:v18+s25+$0x0], $0xffff;
	[tilespmem:s12+$0xFFFFFE00] =	vst v17  }
.LBB2_12:
0xdb: {  	p3 =	slt.u32 s19, $0x38;
	s8 =	sadd.s32 $0x1, s21;
	v17 =	vadd.s32 s20, v3;
	v15 =	vshll.u32 v15, $0x8;
	v18 =	vld.idx.msk [tilespmem:v13+s25+$0x0], $0xffff;
	v16 =	vadd.s32 v2, v16;
	[tilespmem:s4+$0xFFFFFF00] =	vst v11  }
0xdc: {  	v11 =	vadd.s32 s8, v3;
	s8 =	sadd.s32 $0x2, s21;
	v13 =	vshll.u32 v17, $0x8;
	v15 =	vadd.s32 v2, v15;
	v17 =	vld.idx.msk [tilespmem:v8+s25+$0x0], $0xffff;
	[tilespmem:s4+$0x0] =	vst v9  }
0xdd: {  	v8 =	vshll.u32 v11, $0x8;
	v9 =	vadd.s32 s8, v3;
	s8 =	sadd.s32 $0x3, s21;
	v19 =	vadd.s32 v2, v13;
	v11 =	vld.idx.msk [tilespmem:v10+s25+$0x0], $0xffff;
	[tilespmem:s4+$0x100] =	vst v6  }
.Ltmp6:
0xde: {  	v13 =	vadd.s32 v2, v8;
	v6 =	vshll.u32 v9, $0x8;
	v10 =	vadd.s32 s8, v3;
	s8 =	sadd.s32 $0x4, s21;
	v9 =	vld.idx.msk [tilespmem:v12+s25+$0x0], $0xffff;
	[tilespmem:s4+$0x200] =	vst v7;
	(pc) =	sbr.rel @p3 .LBB2_12-.Ltmp6, $4  }
0xdf: {  	v8 =	vadd.s32 v2, v6;
	v7 =	vshll.u32 v10, $0x8;
	v12 =	vadd.s32 s8, v3;
	s8 =	sadd.s32 $0x5, s21;
	v6 =	vld.idx.msk [tilespmem:v14+s25+$0x0], $0xffff;
	[tilespmem:s4+$0xFFFFFC00] =	vst v4;
	s4 =	sadd.s32 $0x800, s4  }
0xe0: {  	v10 =	vadd.s32 v2, v7;
	v4 =	vshll.u32 v12, $0x8;
	v14 =	vadd.s32 s8, v3;
	s8 =	sadd.s32 $0x6, s21;
	v7 =	vld.idx.msk [tilespmem:v16+s25+$0x0], $0xffff;
	[tilespmem:s4+$0x300] =	vst v5  }
0xe1: {  	v12 =	vadd.s32 v2, v4;
	v5 =	vshll.u32 v14, $0x8;
	v16 =	vadd.s32 s8, v3;
	v4 =	vld.idx.msk [tilespmem:v15+s25+$0x0], $0xffff;
	[tilespmem:s4+$0xFFFFFD00] =	vst v18  }
0xe2: {  	s20 =	sadd.s32 $0x7, s19;
	v15 =	vadd.s32 s21, v3;
	s21 =	smov.u32 s19;
	s19 =	sadd.s32 $0x8, s19;
	v14 =	vadd.s32 v2, v5;
	v16 =	vshll.u32 v16, $0x8;
	v5 =	vld.idx.msk [tilespmem:v19+s25+$0x0], $0xffff;
	[tilespmem:s4+$0xFFFFFE00] =	vst v17  }
0xe3: {  	_ =	sdelay $0x2  }
0xe4: {  	[tilespmem:s4+$0xFFFFFF00] =	vst v11  }
0xe5: {  	s8 =	sadd.s32 $0x1, s21;
	v45 =	vadd.s32 s20, v3;
	v15 =	vshll.u32 v15, $0x8;
	v13 =	vld.idx.msk [tilespmem:v13+s25+$0x0], $0xffff;
	v16 =	vadd.s32 v2, v16;
	[tilespmem:s4+$0x0] =	vst v9  }
0xe6: {  	s19 =	sadd.s32 $0x2, s21;
	v8 =	vld.idx.msk [tilespmem:v8+s25+$0x0], $0xffff;
	v46 =	vadd.s32 s8, v3;
	v11 =	vshll.u32 v45, $0x8;
	v15 =	vadd.s32 v2, v15;
	[tilespmem:s4+$0x100] =	vst v6  }
0xe7: {  	s20 =	sadd.s32 $0x3, s21;
	v10 =	vld.idx.msk [tilespmem:v10+s25+$0x0], $0xffff;
	v48 =	vadd.s32 s19, v3;
	v47 =	vshll.u32 v46, $0x8;
	v11 =	vadd.s32 v2, v11;
	[tilespmem:s4+$0x200] =	vst v7  }
0xe8: {  	s23 =	sadd.s32 $0x4, s21;
	v12 =	vld.idx.msk [tilespmem:v12+s25+$0x0], $0xffff;
	v50 =	vadd.s32 s20, v3;
	s19 =	sadd.s32 $0x800, s4;
	v49 =	vshll.u32 v48, $0x8;
	v6 =	vadd.s32 v2, v47;
	[tilespmem:s4+$0xFFFFFC00] =	vst v4  }
0xe9: {  	v14 =	vld.idx.msk [tilespmem:v14+s25+$0x0], $0xffff;
	v53 =	vadd.s32 s23, v3;
	s20 =	sadd.s32 $0x5, s21;
	v52 =	vshll.u32 v50, $0x8;
	v51 =	vadd.s32 v2, v49;
	[tilespmem:s19+$0x300] =	vst v5  }
0xea: {  	s23 =	sadd.s32 $0x6, s21;
	v55 =	vshll.u32 v53, $0x8;
	v56 =	vadd.s32 s20, v3;
	v54 =	vadd.s32 v2, v52;
	v16 =	vld.idx.msk [tilespmem:v16+s25+$0x0], $0xffff;
	[tilespmem:s19+$0xFFFFFD00] =	vst v13  }
0xeb: {  	v57 =	vadd.s32 s23, v3;
	v7 =	vadd.s32 v2, v55;
	v9 =	vshll.u32 v56, $0x8;
	[tilespmem:s19+$0xFFFFFE00] =	vst v8;
	v15 =	vld.idx.msk [tilespmem:v15+s25+$0x0], $0xffff  }
0xec: {  	v3 =	vadd.s32 s21, v3;
	v59 =	vshll.u32 v57, $0x8;
	v58 =	vadd.s32 v2, v9;
	[tilespmem:s19+$0xFFFFFF00] =	vst v10;
	v11 =	vld.idx.msk [tilespmem:v11+s25+$0x0], $0xffff  }
0xed: {  	v3 =	vshll.u32 v3, $0x8;
	v9 =	vadd.s32 v2, v59;
	[tilespmem:s19+$0x0] =	vst v12;
	v6 =	vld.idx.msk [tilespmem:v6+s25+$0x0], $0xffff  }
0xee: {  	v2 =	vadd.s32 v2, v3;
	[tilespmem:s19+$0x100] =	vst v14;
	v3 =	vld.idx.msk [tilespmem:v51+s25+$0x0], $0xffff  }
0xef: {  	v60 =	vld.idx.msk [tilespmem:v54+s25+$0x0], $0xffff;
	[tilespmem:s19+$0x200] =	vst v16  }
0xf0: {  	s4 =	sadd.s32 $0x800, s19;
	v61 =	vld.idx.msk [tilespmem:v7+s25+$0x0], $0xffff;
	[tilespmem:s19+$0xFFFFFC00] =	vst v15  }
0xf1: {  	v62 =	vld.idx.msk [tilespmem:v58+s25+$0x0], $0xffff;
	[tilespmem:s4+$0x300] =	vst v11  }
0xf2: {  	s13 =	sadd.s32 $0x1, s13;
	v63 =	vld.idx.msk [tilespmem:v9+s25+$0x0], $0xffff;
	[tilespmem:s4+$0xFFFFFD00] =	vst v6  }
0xf3: {  	p3 =	sne.s32 s13, $0x10;
	v2 =	vld.idx.msk [tilespmem:v2+s25+$0x0], $0xffff;
	[tilespmem:s4+$0xFFFFFE00] =	vst v3  }
.Ltmp7:
0xf4: {  	[tilespmem:s4+$0xFFFFFF00] =	vst v60;
	(pc) =	sbr.rel @p3 .LBB2_11-.Ltmp7, $4  }
0xf5: {  	[tilespmem:s4+$0x0] =	vst v61  }
0xf6: {  	[tilespmem:s4+$0x100] =	vst v62  }
0xf7: {  	[tilespmem:s4+$0x200] =	vst v63  }
0xf8: {  	s12 =	sadd.s32 $0x10, s12;
	[tilespmem:s4+$0xFFFFFC00] =	vst v2  }
0xf9: {  	s4 =	sadd.s32 s10, s7  }
0xfa: {  	s4 =	sshll.u32 s4, $0xE  }
0xfb: {  	s11 =	sadd.s32 s15, s4  }
0xfc: {  	s4 =	sadd.s32 $0x8000, s11  }
0xfd: {  	s4 =	sshrl.u32 s4, $0x3  }
0xfe: {  	s4 =	sadd.s32 s5, s4  }
0xff: {  	[hbm4b:s4+s2] =	stream.linear.scatter [tilespmem:s28], [sflag:$0x5], $0x4000, $0x38;
	[tilespmem:$0x1D000] =	vst v63  }
0x100: {  	s4 =	sadd.s32 @!p2 s10, s18  }
0x101: {  	s4 =	sshll.u32 @!p2 s4, $0xE  }
0x102: {  	s4 =	sadd.s32 @!p2 s14, s4  }
0x103: {  	s4 =	sshrl.u32 @!p2 s4, $0x3  }
0x104: {  	s8 =	simm.s32 @!p2 $0x0;
	s12 =	simm.s32 @!p2 $0xA000;
	s4 =	sadd.s32 @!p2 s3, s4  }
0x105: {  	[tilespmem:s12], [sflag:$0x3] =	stream.linear.gather @!p2 [hbm4b:s4+s8], $0x5000, $0x38;
	[tilespmem:$0x1D000] =	vst v63  }
0x106: {  	_ =	swait.ge [sflag:s1], $0x5000  }
0x107: {  	[sflag:s1] =	ssyncset.done $0x0  }
0x108: {  	[sflag:s1] =	ssyncadd.s32 $0xFFFFB000  }
0x109: {  	_ =	swait.ge [sflag:s22], $0x4000  }
0x10a: {  	s13 =	simm.s32 $0x18400;
	[sflag:s22] =	ssyncset.done $0x0  }
0x10b: {  	s21 =	simm.s32 $0x0;
	s12 =	simm.s32 $0x0;
	[sflag:s22] =	ssyncadd.s32 $0xFFFFC000  }
.LBB2_15:
0x10c: {  	_ =	sdelay $0x2  }
0x10d: {  	s4 =	sshll.u32 s21, $0x4  }
0x10e: {  	v2 =	vld.idx.msk [tilespmem:v0+s4+$0x0 ss:$0x1], $0xffff;
	_ =	sdelay $0x4  }
0x10f: {  	s8 =	simm.s32 $0x7;
	v3 =	vsub.s32 $0x8, v2  }
0x110: {  	s19 =	simm.s32 $0x1;
	v4 =	vadd.s32 s8, v3  }
0x111: {  	v2 =	vor.u32 s4, v1;
	v5 =	vadd.s32 s19, v3;
	s8 =	simm.s32 $0x2;
	v4 =	vshll.u32 v4, $0x8  }
0x112: {  	s19 =	simm.s32 $0x3;
	v5 =	vshll.u32 v5, $0x8;
	v6 =	vadd.s32 s8, v3;
	v4 =	vadd.s32 v2, v4  }
0x113: {  	s20 =	simm.s32 $0x4;
	v7 =	vadd.s32 s19, v3;
	v5 =	vadd.s32 v2, v5;
	v6 =	vshll.u32 v6, $0x8  }
0x114: {  	s23 =	simm.s32 $0x5;
	v8 =	vadd.s32 s20, v3;
	v7 =	vshll.u32 v7, $0x8;
	v6 =	vadd.s32 v2, v6  }
0x115: {  	v9 =	vadd.s32 s23, v3;
	v8 =	vshll.u32 v8, $0x8;
	s8 =	simm.s32 $0x6;
	v7 =	vadd.s32 v2, v7  }
0x116: {  	v9 =	vshll.u32 v9, $0x8;
	v8 =	vadd.s32 v2, v8;
	v10 =	vadd.s32 s8, v3  }
0x117: {  	v11 =	vadd.s32 s12, v3;
	s19 =	simm.s32 $0xF;
	v12 =	vadd.s32 v2, v9;
	v9 =	vshll.u32 v10, $0x8;
	v4 =	vld.idx.msk [tilespmem:v4+s26+$0x0], $0xffff  }
0x118: {  	s20 =	simm.s32 $0x9;
	v11 =	vshll.u32 v11, $0x8;
	v10 =	vadd.s32 s19, v3;
	v14 =	vadd.s32 v2, v9;
	v5 =	vld.idx.msk [tilespmem:v5+s26+$0x0], $0xffff  }
0x119: {  	s23 =	simm.s32 $0xA;
	v15 =	vadd.s32 v2, v11;
	v9 =	vadd.s32 s20, v3;
	v10 =	vshll.u32 v10, $0x8;
	v17 =	vld.idx.msk [tilespmem:v6+s26+$0x0], $0xffff  }
0x11a: {  	s8 =	simm.s32 $0xB;
	v18 =	vadd.s32 v2, v10;
	v6 =	vshll.u32 v9, $0x8;
	v9 =	vadd.s32 s23, v3;
	v11 =	vld.idx.msk [tilespmem:v7+s26+$0x0], $0xffff  }
0x11b: {  	s19 =	simm.s32 $0xC;
	v7 =	vadd.s32 s8, v3;
	v13 =	vadd.s32 v2, v6;
	v6 =	vshll.u32 v9, $0x8;
	v9 =	vld.idx.msk [tilespmem:v8+s26+$0x0], $0xffff  }
0x11c: {  	v16 =	vadd.s32 s19, v3;
	s20 =	simm.s32 $0xD;
	v7 =	vshll.u32 v7, $0x8;
	v8 =	vadd.s32 v2, v6;
	v6 =	vld.idx.msk [tilespmem:v12+s26+$0x0], $0xffff  }
0x11d: {  	s23 =	simm.s32 $0xE;
	v10 =	vadd.s32 v2, v7;
	v12 =	vshll.u32 v16, $0x8;
	v16 =	vadd.s32 s20, v3;
	v7 =	vld.idx.msk [tilespmem:v14+s26+$0x0], $0xffff;
	[tilespmem:s13+$0x300] =	vst v4  }
0x11e: {  	s4 =	smov.u32 s13;
	s8 =	simm.s32 $0x8;
	v12 =	vadd.s32 v2, v12;
	v14 =	vshll.u32 v16, $0x8;
	v16 =	vadd.s32 s23, v3;
	v4 =	vld.idx.msk [tilespmem:v15+s26+$0x0], $0xffff;
	[tilespmem:s13+$0xFFFFFD00] =	vst v5  }
0x11f: {  	s19 =	simm.s32 $0x18;
	s20 =	simm.s32 $0x17;
	s23 =	simm.s32 $0x10;
	v15 =	vadd.s32 s8, v3;
	v14 =	vadd.s32 v2, v14;
	v16 =	vshll.u32 v16, $0x8;
	v5 =	vld.idx.msk [tilespmem:v18+s26+$0x0], $0xffff;
	[tilespmem:s13+$0xFFFFFE00] =	vst v17  }
.LBB2_16:
0x120: {  	p3 =	slt.u32 s19, $0x38;
	s8 =	sadd.s32 $0x1, s23;
	v17 =	vadd.s32 s20, v3;
	v15 =	vshll.u32 v15, $0x8;
	v18 =	vld.idx.msk [tilespmem:v13+s26+$0x0], $0xffff;
	v16 =	vadd.s32 v2, v16;
	[tilespmem:s4+$0xFFFFFF00] =	vst v11  }
0x121: {  	v11 =	vadd.s32 s8, v3;
	s8 =	sadd.s32 $0x2, s23;
	v13 =	vshll.u32 v17, $0x8;
	v15 =	vadd.s32 v2, v15;
	v17 =	vld.idx.msk [tilespmem:v8+s26+$0x0], $0xffff;
	[tilespmem:s4+$0x0] =	vst v9  }
0x122: {  	v8 =	vshll.u32 v11, $0x8;
	v9 =	vadd.s32 s8, v3;
	s8 =	sadd.s32 $0x3, s23;
	v19 =	vadd.s32 v2, v13;
	v11 =	vld.idx.msk [tilespmem:v10+s26+$0x0], $0xffff;
	[tilespmem:s4+$0x100] =	vst v6  }
.Ltmp8:
0x123: {  	v13 =	vadd.s32 v2, v8;
	v6 =	vshll.u32 v9, $0x8;
	v10 =	vadd.s32 s8, v3;
	s8 =	sadd.s32 $0x4, s23;
	v9 =	vld.idx.msk [tilespmem:v12+s26+$0x0], $0xffff;
	[tilespmem:s4+$0x200] =	vst v7;
	(pc) =	sbr.rel @p3 .LBB2_16-.Ltmp8, $4  }
0x124: {  	v8 =	vadd.s32 v2, v6;
	v7 =	vshll.u32 v10, $0x8;
	v12 =	vadd.s32 s8, v3;
	s8 =	sadd.s32 $0x5, s23;
	v6 =	vld.idx.msk [tilespmem:v14+s26+$0x0], $0xffff;
	[tilespmem:s4+$0xFFFFFC00] =	vst v4;
	s4 =	sadd.s32 $0x800, s4  }
0x125: {  	v10 =	vadd.s32 v2, v7;
	v4 =	vshll.u32 v12, $0x8;
	v14 =	vadd.s32 s8, v3;
	s8 =	sadd.s32 $0x6, s23;
	v7 =	vld.idx.msk [tilespmem:v16+s26+$0x0], $0xffff;
	[tilespmem:s4+$0x300] =	vst v5  }
0x126: {  	v12 =	vadd.s32 v2, v4;
	v5 =	vshll.u32 v14, $0x8;
	v16 =	vadd.s32 s8, v3;
	v4 =	vld.idx.msk [tilespmem:v15+s26+$0x0], $0xffff;
	[tilespmem:s4+$0xFFFFFD00] =	vst v18  }
0x127: {  	s20 =	sadd.s32 $0x7, s19;
	v15 =	vadd.s32 s23, v3;
	s23 =	smov.u32 s19;
	s19 =	sadd.s32 $0x8, s19;
	v14 =	vadd.s32 v2, v5;
	v16 =	vshll.u32 v16, $0x8;
	v5 =	vld.idx.msk [tilespmem:v19+s26+$0x0], $0xffff;
	[tilespmem:s4+$0xFFFFFE00] =	vst v17  }
0x128: {  	_ =	sdelay $0x2  }
0x129: {  	[tilespmem:s4+$0xFFFFFF00] =	vst v11  }
0x12a: {  	s8 =	sadd.s32 $0x1, s23;
	v45 =	vadd.s32 s20, v3;
	v15 =	vshll.u32 v15, $0x8;
	v13 =	vld.idx.msk [tilespmem:v13+s26+$0x0], $0xffff;
	v16 =	vadd.s32 v2, v16;
	[tilespmem:s4+$0x0] =	vst v9  }
0x12b: {  	s20 =	sadd.s32 $0x2, s23;
	v8 =	vld.idx.msk [tilespmem:v8+s26+$0x0], $0xffff;
	v46 =	vadd.s32 s8, v3;
	v11 =	vshll.u32 v45, $0x8;
	v15 =	vadd.s32 v2, v15;
	[tilespmem:s4+$0x100] =	vst v6  }
0x12c: {  	s19 =	sadd.s32 $0x3, s23;
	v10 =	vld.idx.msk [tilespmem:v10+s26+$0x0], $0xffff;
	v48 =	vadd.s32 s20, v3;
	v47 =	vshll.u32 v46, $0x8;
	v11 =	vadd.s32 v2, v11;
	[tilespmem:s4+$0x200] =	vst v7  }
0x12d: {  	v12 =	vld.idx.msk [tilespmem:v12+s26+$0x0], $0xffff;
	v50 =	vadd.s32 s19, v3;
	s20 =	sadd.s32 $0x4, s23;
	v49 =	vshll.u32 v48, $0x8;
	v6 =	vadd.s32 v2, v47;
	[tilespmem:s4+$0xFFFFFC00] =	vst v4;
	s4 =	sadd.s32 $0x800, s4  }
0x12e: {  	v14 =	vld.idx.msk [tilespmem:v14+s26+$0x0], $0xffff;
	s19 =	sadd.s32 $0x5, s23;
	v52 =	vshll.u32 v50, $0x8;
	v53 =	vadd.s32 s20, v3;
	v51 =	vadd.s32 v2, v49;
	[tilespmem:s4+$0x300] =	vst v5  }
0x12f: {  	v56 =	vadd.s32 s19, v3;
	s20 =	sadd.s32 $0x6, s23;
	v54 =	vadd.s32 v2, v52;
	v55 =	vshll.u32 v53, $0x8;
	v16 =	vld.idx.msk [tilespmem:v16+s26+$0x0], $0xffff;
	[tilespmem:s4+$0xFFFFFD00] =	vst v13  }
0x130: {  	v9 =	vshll.u32 v56, $0x8;
	v57 =	vadd.s32 s20, v3;
	v7 =	vadd.s32 v2, v55;
	[tilespmem:s4+$0xFFFFFE00] =	vst v8;
	v15 =	vld.idx.msk [tilespmem:v15+s26+$0x0], $0xffff  }
0x131: {  	v3 =	vadd.s32 s23, v3;
	v58 =	vadd.s32 v2, v9;
	v59 =	vshll.u32 v57, $0x8;
	[tilespmem:s4+$0xFFFFFF00] =	vst v10;
	v11 =	vld.idx.msk [tilespmem:v11+s26+$0x0], $0xffff  }
0x132: {  	v3 =	vshll.u32 v3, $0x8;
	v9 =	vadd.s32 v2, v59;
	[tilespmem:s4+$0x0] =	vst v12;
	v6 =	vld.idx.msk [tilespmem:v6+s26+$0x0], $0xffff  }
0x133: {  	v2 =	vadd.s32 v2, v3;
	[tilespmem:s4+$0x100] =	vst v14;
	v3 =	vld.idx.msk [tilespmem:v51+s26+$0x0], $0xffff  }
0x134: {  	v60 =	vld.idx.msk [tilespmem:v54+s26+$0x0], $0xffff;
	[tilespmem:s4+$0x200] =	vst v16  }
0x135: {  	v61 =	vld.idx.msk [tilespmem:v7+s26+$0x0], $0xffff;
	[tilespmem:s4+$0xFFFFFC00] =	vst v15;
	s4 =	sadd.s32 $0x800, s4  }
0x136: {  	v62 =	vld.idx.msk [tilespmem:v58+s26+$0x0], $0xffff;
	[tilespmem:s4+$0x300] =	vst v11  }
0x137: {  	s21 =	sadd.s32 $0x1, s21;
	v63 =	vld.idx.msk [tilespmem:v9+s26+$0x0], $0xffff;
	[tilespmem:s4+$0xFFFFFD00] =	vst v6  }
0x138: {  	p3 =	sne.s32 s21, $0x10;
	v2 =	vld.idx.msk [tilespmem:v2+s26+$0x0], $0xffff;
	[tilespmem:s4+$0xFFFFFE00] =	vst v3  }
.Ltmp9:
0x139: {  	[tilespmem:s4+$0xFFFFFF00] =	vst v60;
	(pc) =	sbr.rel @p3 .LBB2_15-.Ltmp9, $4  }
0x13a: {  	[tilespmem:s4+$0x0] =	vst v61  }
0x13b: {  	[tilespmem:s4+$0x100] =	vst v62  }
0x13c: {  	[tilespmem:s4+$0x200] =	vst v63  }
0x13d: {  	s13 =	sadd.s32 $0x10, s13;
	[tilespmem:s4+$0xFFFFFC00] =	vst v2  }
.Ltmp10:
0x13e: {  	(pc) =	sbr.rel @p2 .LBB2_20-.Ltmp10, $4  }
0x13f: {  	s4 =	sadd.s32 $0xC000, s11  }
0x140: {  	s4 =	sshrl.u32 s4, $0x3  }
0x141: {  	s4 =	sadd.s32 s5, s4  }
0x142: {  	[hbm4b:s4+s2] =	stream.linear.scatter [tilespmem:s30], [sflag:$0x6], $0x4000, $0x38;
	[tilespmem:$0x1D000] =	vst v63  }
0x143: {  	s4 =	rddreg [dreg:$0x9]  }
0x144: {  	s4 =	sadd.s32 s10, s4  }
0x145: {  	p2 =	sne.s32 s4, $0x1F  }
0x146: {  	p3 =	sgt.u32 @p2 s4, $0x1E  }
0x147: {  	s4 =	sshll.u32 s4, $0xE;
	p3 =	por p3, !p2  }
0x148: {  	s4 =	sadd.s32 @!p3 s14, s4  }
0x149: {  	s4 =	sshrl.u32 @!p3 s4, $0x3  }
0x14a: {  	s8 =	simm.s32 @!p3 $0x0;
	s10 =	simm.s32 @!p3 $0xF000;
	s4 =	sadd.s32 @!p3 s3, s4  }
0x14b: {  	[tilespmem:s10], [sflag:$0x4] =	stream.linear.gather @!p3 [hbm4b:s4+s8], $0x5000, $0x38;
	[tilespmem:$0x1D000] =	vst v63  }
.Ltmp11:
0x14c: {  	_ = 	snop;
	(pc) =	sbr.rel .LBB2_2-.Ltmp11, $4  }
0x14d: {  	s4 =	simm.s32 @!p2 $0x0;
	s8 =	simm.s32 @!p2 $0xF000;
	s10 =	rddreg [dreg:$0xa]  }
0x14e: {  	[tilespmem:s8], [sflag:$0x4] =	stream.linear.gather @!p2 [hbm4b:s10+s4], $0x4800, $0x38;
	[tilespmem:$0x1D000] =	vst v63  }
0x14f: {  	s9 =	sadd.s32 $0x1, s9;
	s8 =	simm.s32 @!p2 $0x13800  }
0x150: {  	[tilespmem:s8], [sflag:$0x4] =	stream.linear.gather @!p2 [hbm4b:s16+s4], $0x800, $0x38;
	[tilespmem:$0x1D000] =	vst v63  }
.LBB2_21:
0x151: {  	_ =	sfence.sel $0x180000  }
0x152: {  	[bflag:$0x0] =	sbarrier.arrive $0xFFFF  }
0x153: {  	_ =	strace $0x9000004A  }
0x154: {  	s0 =	stileid.u32;
	[bflag:$0x2] =	sbarrier.arrive $0xFFFF  }
0x155: {  	p0 =	sne.s32 s0, $0x0;
	s0 =	rddreg [dreg:$0x1]  }
0x156: {  	s0 =	sadd.s32 @!p0 $0x100000, s0  }
0x157: {  	[sflag:s0] =	ssyncadd.tile.s32 @!p0 $0x1;
	_ =	shalt  }
.Lfunc_end2:
_tile_overlayer_lowered:
.L_overlay_start_2:
0x158: {  	(tag) =	ssettag $0x2  }
0x159: {  	s0 =	rddreg [dreg:$0x0];
	s2 =	stileid.u32  }
0x15a: {  	s1 =	rddreg [dreg:$0x1];
	p0 =	sne.s32 s2, $0x0  }
0x15b: {  	s3 =	rddreg [dreg:$0x2];
	[bflag:$0x3] =	sbarrier.arrive $0xFFFF;
	s2 =	simm.s32 @!p0 $0x1C07  }
0x15c: {  	[timem:s3], [sflag:s2] =	dma.local @!p0 [hbm:s0], s1  }
0x15d: {  	s0 =	simm.s32 @!p0 $0x7  }
0x15e: {  	_ =	swait.ge @!p0 [sflag:s0], s1  }
0x15f: {  	s1 =	ssub.s32 @!p0 $0x0, s1;
	[sflag:s0] =	ssyncset.done @!p0 $0x0  }
0x160: {  	[sflag:s0] =	ssyncadd.s32 @!p0 s1  }
0x161: {  	[bflag:$0x3] =	sbarrier.arrive $0xFFFF  }
0x162: {  	_ =	shalt  }

// kernel: sparse-core-data-format-call.cloned.1.call-start
scs
called_computation_lowered:
.L_overlay_start_0:
0x0: {  	s2 =	sld [smem:$0x3FD9]  }
0x1: {  	s3 =	sld [smem:$0x3FFE];
	_ =	sdelay $0x1  }
0x2: {  	s1 =	srdreg.scid  }
0x3: {  	s0 =	sand.u32 $0x1, s1  }
0x4: {  	s18 =	sshll.u32 s0, $0xA;
	s2 =	sadd.s32 s3, s2  }
0x5: {  	s2 =	sadd.s32 s2, s18  }
0x6: {  	[smem:$0x3FC7] =	sst s2  }
0x7: {  	_ = 	snop  }
0x8: {  	s2 =	sld [smem:$0x3FC9];
	(tm) =	ssettm $0x1  }
0x9: {  	s19 =	sld [smem:$0x3FFB];
	_ =	sdelay $0x3  }
0xa: {  	_ =	strace s19  }
0xb: {  	s3 =	sld [smem:$0x3FFC];
	_ =	sdelay $0x3  }
0xc: {  	_ =	strace s3  }
0xd: {  	s3 =	sld [smem:$0x3FFD];
	_ =	sdelay $0x3  }
0xe: {  	_ =	strace s3  }
0xf: {  	_ =	strace $0x8FFFFFFF  }
0x10: {  	s20 =	sld [smem:$0x3FDB];
	_ =	sdelay $0x1  }
0x11: {  	s4 =	simm.s32 $_scs_section_size  }
0x12: {  	s5 =	simm.s32 $_size__tile_overlayer_lowered;
	s6 =	simm.s32 $_tile_overlayer_lowered  }
0x13: {  	s23 =	simm.s32 $0x1BFF;
	s22 =	sshll.u32 s6, $0x1;
	s3 =	sadd.s32 s4, s20  }
0x14: {  	s7 =	simm.s32 $0x0;
	s21 =	sshll.u32 s5, $0x1;
	s5 =	sadd.s32 s22, s3  }
0x15: {  	[timem:s7], [sflag:s23] =	dma.local [hbm:s5], s21  }
0x16: {  	_ =	swait.ge [sflag:s23], s21  }
0x17: {  	s4 =	ssub.s32 $0x0, s21;
	[sflag:s23] =	ssyncset.done $0x0  }
0x18: {  	[sflag:s23] =	ssyncadd.s32 s4;
	_ =	sdelay $0x1  }
0x19: {  	s24 =	simm.s32 $0x1B8B  }
0x1a: {  	_ =	swait.ge [sflag:s24], $0x1  }
0x1b: {  	[sflag:s24] =	ssyncset.done $0x0  }
0x1c: {  	s26 =	simm.s32 $0x1B8E;
	s25 =	sld [smem:$0x3FFE];
	[sflag:s24] =	ssyncadd.s32 $0xFFFFFFFF  }
0x1d: {  	s27 =	simm.s32 $execute0_lowered;
	[smem:$0x3FD2] =	sst s26  }
0x1e: {  	s5 =	sshll.u32 s27, $0x1;
	_ =	strace $0x80000046;
	[dreg:$0x1] =	wrdreg $0xFFFFFFFF  }
0x1f: {  	s28 =	simm.s32 $_size_execute0_lowered;
	s3 =	sadd.s32 s3, s5;
	[dreg:$0x0] =	wrdreg $0x0  }
0x20: {  	s5 =	sshll.u32 s28, $0x1;
	[dreg:$0x2] =	wrdreg s3  }
0x21: {  	[dreg:$0x3] =	wrdreg s5  }
0x22: {  	[dreg:$0x4] =	wrdreg $0xC0  }
0x23: {  	_ =	task [dreg:s7], $0x5FFFF  }
0x24: {  	[dreg:$0x1] =	wrdreg $0xFFFFFFFF  }
0x25: {  	[dreg:$0x0] =	wrdreg $0x60  }
0x26: {  	[dreg:$0x2] =	wrdreg s2  }
0x27: {  	[dreg:$0x3] =	wrdreg s25  }
0x28: {  	[dreg:$0x4] =	wrdreg $0x9  }
0x29: {  	_ =	task.clear_ibuf [dreg:s7], $0x5FFFF;
	_ =	strace $0x90000046  }
0x2a: {  	s29 =	simm.s32 $0x9;
	_ =	strace $0x80000048  }
0x2b: {  	_ =	swait.ge [sflag:s29], $0x1  }
0x2c: {  	[sflag:s29] =	ssyncadd.s32 $0xFFFFFFFF  }
0x2d: {  	_ =	strace $0x90000048  }
0x2e: {  	_ =	sfence  }
0x2f: {  	s30 =	sld [smem:$0x0];
	_ =	sdelay $0x2  }
0x30: {  	s31 =	sshll.u32 s1, $0xD;
	s1 =	sshrl.u32 s1, $0x2  }
0x31: {  	s3 =	sand.u32 $0x4000, s31;
	s1 =	sadd.s32 s1, s30  }
0x32: {  	s0 =	sor.u32 s3, s0;
	s1 =	sshll.u32 s1, $0x11  }
0x33: {  	s0 =	sor.u32 s1, s0  }
0x34: {  	s0 =	sadd.s32 $0x8F2B, s0  }
0x35: {  	[sflag:s0] =	ssyncadd.remote.s32 $0x1  }
0x36: {  	_ =	sfence.sel $0xFFFF  }
0x37: {  	[dreg:$0x0] =	wrdreg $0xFFFFFFFF;
	(pc) =	sbr.abs _section_cstart, $3  }
0x38: {  	[dreg:$0x1] =	wrdreg $0xFFFFFFFF  }
0x39: {  	_ =	task.clear_ibuf [dreg:s7], $0x2FFFF;
	_ =	strace $0x9FFFFFFF  }
0x3a: {  	(tm) =	ssettm $0x7FFFFFFF  }
0x3b: {  	_ =	shalt  }
tec
execute0_lowered:
.L_overlay_start_1:
0x0: {  	(tag) =	ssettag $0x1  }
0x1: {  	s0 =	srdreg.scid  }
0x2: {  	s1 =	sshll.u32 s0, $0x4  }
0x3: {  	s2 =	rddreg [dreg:$0x0];
	s0 =	stileid.u32;
	s1 =	sand.u32 $0x10, s1  }
0x4: {  	s4 =	rddreg [dreg:$0x1];
	s7 =	simm.s32 $0x1;
	s1 =	sor.u32 s0, s1  }
0x5: {  	s8 =	simm.s32 $0x2;
	s9 =	simm.s32 $0x0;
	s3 =	sshll.u32 s1, $0x3  }
0x6: {  	s12 =	simm.s32 $0x0;
	s11 =	simm.s32 $0x0;
	s6 =	ssub.s32 $0x4000, s3  }
.Ltmp0:
0x7: {  	s4 =	sadd.s32 $0x1800, s4;
	s5 =	sand.u32 $0xF8, s6;
	(pc) =	sbr.rel .LBB1_1-.Ltmp0, $4  }
0x8: {  	s1 =	rddreg [dreg:$0x2];
	_ =	strace $0x80000047;
	p0 =	sne.s32 s5, $0x0  }
0x9: {  	s6 =	sshrl.u32 s6, $0x8;
	s5 =	simm.s32 $0x1;
	s7 =	simm.s32 @!p0 $0x0  }
0xa: {  	s10 =	smov.u32 s3;
	[sflag:s5] =	ssyncpa.u1 $0x0;
	s6 =	sadd.s32 s7, s6  }
0xb: {  	[sflag:s8] =	ssyncpa.u1 $0x0;
	s8 =	simm.s32 $0x0;
	s7 =	sadd.s32 $0x1, s6  }
.LBB1_9:
0xc: {  	s14 =	sadd.s32 $0x100, s10  }
0xd: {  	p1 =	sgt.s32 s14, $0x3FFF  }
0xe: {  	s14 =	smov.u32 @p1 s3;
	p1 =	sne.s32 s11, s7  }
.Ltmp1:
0xf: {  	p0 =	slt.u32 s11, $0x2;
	(pc) =	sbr.rel @!p1 .LBB1_10-.Ltmp1, $4  }
0x10: {  	s13 =	simm.s32 @!p0 $0x2  }
0x11: {  	s15 =	sadd.s32 $0x1, s11;
	_ =	swait.ge @!p0 [sflag:s13], $0x4000  }
0x12: {  	s12 =	smov.u32 s10;
	s9 =	sadd.s32 $0x4000, s9;
	[sflag:s13] =	ssyncset.done @!p0 $0x0  }
0x13: {  	s11 =	smov.u32 s15;
	s10 =	smov.u32 s14;
	[sflag:s13] =	ssyncadd.s32 @!p0 $0xFFFFC000  }
.LBB1_1:
0x14: {  	p0 =	sge.u32 s11, s6  }
0x15: {  	s13 =	sxor.u32 @!p0 $0xFFFFFFFF, s11  }
0x16: {  	s31 =	sadd.s32 $0xFFFFFFFF, s11;
	s14 =	sshll.u32 @!p0 s10, $0x8;
	s13 =	sshll.u32 @!p0 s13, $0xE  }
0x17: {  	s15 =	simm.s32 @!p0 $0x0;
	s14 =	sadd.s32 @!p0 s2, s14;
	s13 =	sand.u32 @!p0 $0x4000, s13  }
0x18: {  	[tilespmem:s13], [sflag:$0x1] =	stream.linear.gather @!p0 [hbm4b:s14+s15], $0x4000, $0x38;
	[tilespmem:$0x10000] =	vst v63  }
0x19: {  	p0 =	sge.u32 s31, s6  }
.Ltmp2:
0x1a: {  	_ = 	snop;
	(pc) =	sbr.rel @p0 .LBB1_9-.Ltmp2, $1  }
0x1b: {  	_ =	sdelay $0x3  }
0x1c: {  	s13 =	sshll.u32 s9, $0x2;
	_ =	swait.ge [sflag:s5], $0x4000;
	s14 =	sshll.u32 s11, $0xE  }
0x1d: {  	s16 =	simm.s32 $0x0;
	s17 =	simm.s32 $0x0;
	s15 =	sand.u32 $0x10000, s13  }
0x1e: {  	[sflag:s5] =	ssyncset.done $0x0;
	s31 =	sand.u32 $0x4000, s14;
	s14 =	sshrl.u32 s15, $0x2  }
0x1f: {  	[sflag:s5] =	ssyncadd.s32 $0xFFFFC000;
	s13 =	sor.u32 $0x8000, s31;
	s15 =	sor.u32 $0x8000, s14  }
.LBB1_3:
0x20: {  	s18 =	sshra.s32 s16, $0x2  }
0x21: {  	v0 =	vmov s18;
	_ =	sdelay $0x3  }
0x22: {  	p1 =	por $0x1, $0x1;
	s18 =	simm.s32 $0x0  }
.LBB1_4:
0x23: {  	_ = 	snop  }
0x24: {  	s19 =	sshll.u32 s18, $0xA  }
0x25: {  	s19 =	sand.u32 $0x3FFFFC00, s19  }
0x26: {  	s19 =	sadd.s32 s19, s14  }
0x27: {  	v5 =	vld.idx.msk [tilespmem:v0+s19+$0x70 ss:$0x1], $0xffff  }
0x28: {  	v6 =	vld.idx.msk [tilespmem:v0+s19+$0x10 ss:$0x1], $0xffff  }
0x29: {  	v7 =	vld.idx.msk [tilespmem:v0+s19+$0x20 ss:$0x1], $0xffff  }
0x2a: {  	s31 =	sshll.u32 s18, $0x7;
	v1 =	vld.idx.msk [tilespmem:v0+s19+$0x30 ss:$0x1], $0xffff  }
0x2b: {  	s18 =	sand.u32 $0x3FFFFF80, s31;
	v2 =	vld.idx.msk [tilespmem:v0+s19+$0x40 ss:$0x1], $0xffff  }
0x2c: {  	s18 =	sadd.s32 s18, s15;
	v3 =	vld.idx.msk [tilespmem:v0+s19+$0x50 ss:$0x1], $0xffff  }
0x2d: {  	v4 =	vld.idx.msk [tilespmem:v0+s19+$0x60 ss:$0x1], $0xffff;
	[tilespmem:v0+s18+$0x70 ss:$0x1] =	vst.idx.msk $0xffff, v5  }
0x2e: {  	v5 =	vld.idx.msk [tilespmem:v0+s19+$0x0 ss:$0x1], $0xffff;
	[tilespmem:v0+s18+$0x10 ss:$0x1] =	vst.idx.msk $0xffff, v6;
	s19 =	sadd.s32 $0x80, s19  }
0x2f: {  	p0 =	por p1, p1;
	s20 =	simm.s32 $0x6;
	[tilespmem:v0+s18+$0x20 ss:$0x1] =	vst.idx.msk $0xffff, v7;
	v6 =	vld.idx.msk [tilespmem:v0+s19+$0x70 ss:$0x1], $0xffff  }
.LBB1_5:
0x30: {  	p1 =	sne.s32 s20, $0x1;
	v7 =	vld.idx.msk [tilespmem:v0+s19+$0x10 ss:$0x1], $0xffff;
	[tilespmem:v0+s18+$0x30 ss:$0x1] =	vst.idx.msk $0xffff, v1  }
0x31: {  	v8 =	vld.idx.msk [tilespmem:v0+s19+$0x20 ss:$0x1], $0xffff;
	[tilespmem:v0+s18+$0x40 ss:$0x1] =	vst.idx.msk $0xffff, v2  }
0x32: {  	v1 =	vld.idx.msk [tilespmem:v0+s19+$0x30 ss:$0x1], $0xffff;
	[tilespmem:v0+s18+$0x50 ss:$0x1] =	vst.idx.msk $0xffff, v3  }
.Ltmp3:
0x33: {  	v2 =	vld.idx.msk [tilespmem:v0+s19+$0x40 ss:$0x1], $0xffff;
	[tilespmem:v0+s18+$0x60 ss:$0x1] =	vst.idx.msk $0xffff, v4;
	(pc) =	sbr.rel @p1 .LBB1_5-.Ltmp3, $4  }
0x34: {  	v3 =	vld.idx.msk [tilespmem:v0+s19+$0x50 ss:$0x1], $0xffff;
	[tilespmem:v0+s18+$0x0 ss:$0x1] =	vst.idx.msk $0xffff, v5;
	s18 =	sadd.s32 $0x100, s18  }
0x35: {  	v4 =	vld.idx.msk [tilespmem:v0+s19+$0x60 ss:$0x1], $0xffff;
	[tilespmem:v0+s18+$0x70 ss:$0x1] =	vst.idx.msk $0xffff, v6  }
0x36: {  	v5 =	vld.idx.msk [tilespmem:v0+s19+$0x0 ss:$0x1], $0xffff;
	[tilespmem:v0+s18+$0x10 ss:$0x1] =	vst.idx.msk $0xffff, v7;
	s19 =	sadd.s32 $0x80, s19  }
0x37: {  	s20 =	sadd.s32 $0xFFFFFFFF, s20;
	v6 =	vld.idx.msk [tilespmem:v0+s19+$0x70 ss:$0x1], $0xffff;
	[tilespmem:v0+s18+$0x20 ss:$0x1] =	vst.idx.msk $0xffff, v8  }
0x38: {  	_ =	sdelay $0x3  }
0x39: {  	[tilespmem:v0+s18+$0x30 ss:$0x1] =	vst.idx.msk $0xffff, v1  }
0x3a: {  	v1 =	vld.idx.msk [tilespmem:v0+s19+$0x10 ss:$0x1], $0xffff;
	[tilespmem:v0+s18+$0x40 ss:$0x1] =	vst.idx.msk $0xffff, v2  }
0x3b: {  	v2 =	vld.idx.msk [tilespmem:v0+s19+$0x20 ss:$0x1], $0xffff;
	[tilespmem:v0+s18+$0x50 ss:$0x1] =	vst.idx.msk $0xffff, v3  }
0x3c: {  	v61 =	vld.idx.msk [tilespmem:v0+s19+$0x40 ss:$0x1], $0xffff;
	[tilespmem:v0+s18+$0x60 ss:$0x1] =	vst.idx.msk $0xffff, v4  }
0x3d: {  	s31 =	sadd.s32 $0x100, s18;
	v62 =	vld.idx.msk [tilespmem:v0+s19+$0x50 ss:$0x1], $0xffff;
	[tilespmem:v0+s18+$0x0 ss:$0x1] =	vst.idx.msk $0xffff, v5  }
0x3e: {  	v63 =	vld.idx.msk [tilespmem:v0+s19+$0x60 ss:$0x1], $0xffff;
	[tilespmem:v0+s31+$0x70 ss:$0x1] =	vst.idx.msk $0xffff, v6  }
0x3f: {  	v3 =	vld.idx.msk [tilespmem:v0+s19+$0x30 ss:$0x1], $0xffff;
	[tilespmem:v0+s31+$0x10 ss:$0x1] =	vst.idx.msk $0xffff, v1  }
0x40: {  	v1 =	vld.idx.msk [tilespmem:v0+s19+$0x0 ss:$0x1], $0xffff;
	[tilespmem:v0+s31+$0x20 ss:$0x1] =	vst.idx.msk $0xffff, v2  }
.Ltmp4:
0x41: {  	[tilespmem:v0+s31+$0x40 ss:$0x1] =	vst.idx.msk $0xffff, v61;
	(pc) =	sbr.rel @p0 .LBB1_4-.Ltmp4, $4  }
0x42: {  	[tilespmem:v0+s31+$0x50 ss:$0x1] =	vst.idx.msk $0xffff, v62  }
0x43: {  	[tilespmem:v0+s31+$0x60 ss:$0x1] =	vst.idx.msk $0xffff, v63  }
0x44: {  	[tilespmem:v0+s31+$0x30 ss:$0x1] =	vst.idx.msk $0xffff, v3  }
0x45: {  	p1 =	por $0x0, $0x0;
	s18 =	simm.s32 $0x1;
	[tilespmem:v0+s31+$0x0 ss:$0x1] =	vst.idx.msk $0xffff, v1  }
0x46: {  	s17 =	sadd.s32 $0x1, s17  }
0x47: {  	p0 =	sne.s32 s17, $0x8  }
.Ltmp5:
0x48: {  	_ = 	snop;
	(pc) =	sbr.rel @p0 .LBB1_3-.Ltmp5, $2  }
0x49: {  	_ =	sdelay $0x2  }
0x4a: {  	s16 =	sadd.s32 $0x2000, s16  }
.Ltmp6:
0x4b: {  	(pc) =	sbr.rel .LBB1_9-.Ltmp6, $4  }
0x4c: {  	_ = 	snop  }
0x4d: {  	s12 =	sshll.u32 s12, $0x8  }
0x4e: {  	s12 =	sadd.s32 s4, s12  }
0x4f: {  	[hbm4b:s12+s8] =	stream.linear.scatter [tilespmem:s13], [sflag:$0x2], $0x4000, $0x38;
	[tilespmem:$0x10000] =	vst v63  }
.LBB1_10:
0x50: {  	_ =	sfence.sel $0x180000  }
0x51: {  	s2 =	simm.s32 $0x1;
	[bflag:$0x0] =	sbarrier.arrive $0xFFFF  }
0x52: {  	s31 =	simm.s32 $0x2;
	[sflag:s2] =	ssyncpa.u1 $0x1  }
0x53: {  	[sflag:s31] =	ssyncpa.u1 $0x1  }
0x54: {  	p0 =	sne.s32 s0, $0x0;
	_ =	strace $0x90000047  }
0x55: {  	s0 =	sadd.s32 @!p0 $0x100000, s1;
	[bflag:$0x2] =	sbarrier.arrive $0xFFFF  }
0x56: {  	[sflag:s0] =	ssyncadd.tile.s32 @!p0 $0x1;
	_ =	shalt  }
.Lfunc_end1:
_tile_overlayer_lowered:
.L_overlay_start_2:
0x57: {  	(tag) =	ssettag $0x2  }
0x58: {  	s0 =	rddreg [dreg:$0x0];
	s2 =	stileid.u32  }
0x59: {  	s1 =	rddreg [dreg:$0x1];
	p0 =	sne.s32 s2, $0x0  }
0x5a: {  	s3 =	rddreg [dreg:$0x2];
	[bflag:$0x3] =	sbarrier.arrive $0xFFFF;
	s2 =	simm.s32 @!p0 $0x1C01  }
0x5b: {  	[timem:s3], [sflag:s2] =	dma.local @!p0 [hbm:s0], s1  }
0x5c: {  	s0 =	simm.s32 @!p0 $0x1  }
0x5d: {  	_ =	swait.ge @!p0 [sflag:s0], s1  }
0x5e: {  	s1 =	ssub.s32 @!p0 $0x0, s1;
	[sflag:s0] =	ssyncset.done @!p0 $0x0  }
0x5f: {  	[sflag:s0] =	ssyncadd.s32 @!p0 s1  }
0x60: {  	[bflag:$0x3] =	sbarrier.arrive $0xFFFF  }
0x61: {  	_ =	shalt  }

</sc_bundles>
